<compile_context>
chip_gen: v7x
topology: tpu7x:2x2x1
jax: 0.10.2.dev20260603
libtpu: 0.0.44.dev20260713+nightly
codegen_flags: <defaults>
</compile_context>

<pallas_src>
import functools

import jax
import jax.numpy as jnp
from jax import lax
from jax.experimental import pallas as pl
from jax.experimental.pallas import tpu as pltpu
from jax.experimental.pallas import tpu_sc as plsc

N = 4096
INPUT_DIM = 768
CODE_DIM = 256
K = 8192
BLK = 256

_SC_WORKERS = 32
_B_PER_W = N // _SC_WORKERS


def _nn_from_d(d):
    dmin = jnp.min(d, axis=1, keepdims=True)
    iota = lax.broadcasted_iota(jnp.int32, d.shape, 1)
    return jnp.min(jnp.where(d == dmin, iota, K), axis=1)


def _distance(ze, emb, enorm):
    znorm = jnp.sum(ze * ze, axis=1, keepdims=True)
    cross = lax.dot_general(ze, emb, (((1,), (1,)), ((), ())),
                            preferred_element_type=jnp.float32)
    return (znorm + enorm) - 2.0 * cross


def _enorm_body(e1_ref, e2_ref, e3_ref, e4_ref, o1_ref, o2_ref, o3_ref, o4_ref):
    ones = jnp.ones((1, CODE_DIM), jnp.float32)
    for e_ref, o_ref in ((e1_ref, o1_ref), (e2_ref, o2_ref),
                         (e3_ref, o3_ref), (e4_ref, o4_ref)):
        emb = e_ref[...]
        o_ref[...] = lax.dot_general(ones, emb * emb, (((1,), (1,)), ((), ())),
                                     preferred_element_type=jnp.float32,
                                     precision=lax.Precision.HIGHEST)


def _stage1_body(x_ref, w_ref, b_ref, emb_ref, en_ref, ze1_ref, nn1_ref):
    ze1 = jnp.dot(x_ref[...], w_ref[...],
                  preferred_element_type=jnp.float32) + b_ref[...]
    ze1_ref[...] = ze1
    nn = _nn_from_d(_distance(ze1, emb_ref[...], en_ref[...]))
    nn1_ref[...] = nn[:, None]


def _stage_body(zeprev_ref, zqprev_ref, emb_ref, en_ref, ze_ref, nn_ref):
    ze = zeprev_ref[...] - zqprev_ref[...]
    ze_ref[...] = ze
    nn = _nn_from_d(_distance(ze, emb_ref[...], en_ref[...]))
    nn_ref[...] = nn[:, None]


@functools.cache
def _make_sc_gather():
    mesh = plsc.VectorSubcoreMesh(core_axis_name="c", subcore_axis_name="s")

    @functools.partial(
        pl.kernel,
        out_type=jax.ShapeDtypeStruct((N, CODE_DIM), jnp.float32),
        mesh=mesh,
        scratch_types=[
            pltpu.VMEM((_B_PER_W,), jnp.int32),
            pltpu.VMEM((_B_PER_W, CODE_DIM), jnp.float32),
            pltpu.SemaphoreType.DMA,
        ],
    )
    def _sc_gather(table_hbm, idx_hbm, out_hbm, idx_v, rows_v, sem):
        wid = lax.axis_index("s") * 2 + lax.axis_index("c")
        base = wid * _B_PER_W
        pltpu.sync_copy(idx_hbm.at[pl.ds(base, _B_PER_W)], idx_v)
        pltpu.async_copy(table_hbm.at[idx_v], rows_v, sem).wait()
        pltpu.sync_copy(rows_v, out_hbm.at[pl.ds(base, _B_PER_W)])

    return _sc_gather


def _dec_body(ze1_ref, zq1_ref, zq2_ref, zq3_ref, zq4_ref,
              w_ref, b_ref, out_ref):
    ze1 = ze1_ref[...]
    s = ((zq1_ref[...] + zq2_ref[...]) + zq3_ref[...]) + zq4_ref[...]
    di = ze1 + (-ze1 + s)
    out_ref[...] = jnp.dot(di, w_ref[...],
                           preferred_element_type=jnp.float32) + b_ref[...]


def _row_spec(cols):
    return pl.BlockSpec((BLK, cols), lambda i: (i, 0))


def _full_spec(rows, cols):
    return pl.BlockSpec((rows, cols), lambda i: (0, 0))


_GRID = N // BLK
_ZE = jax.ShapeDtypeStruct((N, CODE_DIM), jnp.float32)
_NN = jax.ShapeDtypeStruct((N, 1), jnp.int32)


@jax.jit
def kernel(x, enc_w, enc_b, emb1, emb2, emb3, emb4, emb5, dec_w, dec_b):
    del emb5
    enc_b2 = enc_b.reshape(1, CODE_DIM)
    dec_b2 = dec_b.reshape(1, INPUT_DIM)

    _EN = jax.ShapeDtypeStruct((1, K), jnp.float32)
    en1, en2, en3, en4 = pl.pallas_call(
        _enorm_body,
        in_specs=[pl.BlockSpec((K, CODE_DIM), lambda: (0, 0))] * 4,
        out_specs=[pl.BlockSpec((1, K), lambda: (0, 0))] * 4,
        out_shape=[_EN] * 4,
    )(emb1, emb2, emb3, emb4)

    ze1, nn1 = pl.pallas_call(
        _stage1_body,
        grid=(_GRID,),
        in_specs=[_row_spec(INPUT_DIM), _full_spec(INPUT_DIM, CODE_DIM),
                  _full_spec(1, CODE_DIM), _full_spec(K, CODE_DIM),
                  _full_spec(1, K)],
        out_specs=[_row_spec(CODE_DIM), _row_spec(1)],
        out_shape=[_ZE, _NN],
    )(x, enc_w, enc_b2, emb1, en1)
    zq1 = _make_sc_gather()(emb1, nn1.reshape(N))

    stage = pl.pallas_call(
        _stage_body,
        grid=(_GRID,),
        in_specs=[_row_spec(CODE_DIM), _row_spec(CODE_DIM),
                  _full_spec(K, CODE_DIM), _full_spec(1, K)],
        out_specs=[_row_spec(CODE_DIM), _row_spec(1)],
        out_shape=[_ZE, _NN],
    )
    ze2, nn2 = stage(ze1, zq1, emb2, en2)
    zq2 = _make_sc_gather()(emb2, nn2.reshape(N))
    ze3, nn3 = stage(ze2, zq2, emb3, en3)
    zq3 = _make_sc_gather()(emb3, nn3.reshape(N))
    ze4, nn4 = stage(ze3, zq3, emb4, en4)
    zq4 = _make_sc_gather()(emb4, nn4.reshape(N))

    x_hat = pl.pallas_call(
        _dec_body,
        grid=(_GRID,),
        in_specs=[_row_spec(CODE_DIM)] * 5
        + [_full_spec(CODE_DIM, INPUT_DIM), _full_spec(1, INPUT_DIM)],
        out_specs=_row_spec(INPUT_DIM),
        out_shape=jax.ShapeDtypeStruct((N, INPUT_DIM), jnp.float32),
    )(ze1, zq1, zq2, zq3, zq4, dec_w, dec_b2)

    r = lambda a: a.reshape(N)
    return (x_hat, ze1, ze2, ze3, ze4, zq1, zq2, zq3, zq4,
            r(nn1), r(nn2), r(nn3), r(nn4))

# --- scband reference (transcript-rebuilt; emitter-appended) ---
"""Pipeline reference for scband-rqvae-87711822119408 (READ-ONLY COPY).

The authoritative reference and input builder live on the scoring server;
editing this copy changes nothing except your own understanding.
"""

import jax, jax.numpy as jnp
import numpy as np

N = 4096
INPUT_DIM = 768
CODE_DIM = 256
K = 8192


def _xavier(key, rows, cols):
    std = float(np.sqrt(2.0 / (rows + cols)))
    return jax.random.normal(key, (rows, cols), dtype=jnp.float32) * std


def setup_inputs(seed: int = 0) -> dict:
    key = jax.random.key(seed)
    ks = jax.random.split(key, 12)
    x = jax.random.normal(ks[0], (N, INPUT_DIM), dtype=jnp.float32)
    enc_w = _xavier(ks[1], INPUT_DIM, CODE_DIM)
    enc_b = jnp.zeros((CODE_DIM,), dtype=jnp.float32)
    emb1 = _xavier(ks[2], K, CODE_DIM)
    emb2 = _xavier(ks[3], K, CODE_DIM)
    emb3 = _xavier(ks[4], K, CODE_DIM)
    emb4 = _xavier(ks[5], K, CODE_DIM)
    emb5 = _xavier(ks[6], K, CODE_DIM)
    dec_w = _xavier(ks[7], CODE_DIM, INPUT_DIM)
    dec_b = jnp.zeros((INPUT_DIM,), dtype=jnp.float32)
    return {"x": x, "enc_w": enc_w, "enc_b": enc_b, "emb1": emb1, "emb2": emb2, "emb3": emb3, "emb4": emb4, "emb5": emb5, "dec_w": dec_w, "dec_b": dec_b}


def _nearest(ze, emb):
    # ||e - z||^2 = ||z||^2 + ||e||^2 - 2 z e^T  (same math as broadcasted sum-of-squares,
    # expressed as a matmul so the [N, K, C] tensor is never materialized)
    d = (jnp.sum(ze * ze, axis=1, keepdims=True)
         + jnp.sum(emb * emb, axis=1)[None, :]
         - 2.0 * (ze @ emb.T))
    return jnp.argmin(d, axis=1)


def reference(x, enc_w, enc_b, emb1, emb2, emb3, emb4, emb5, dec_w, dec_b):
    ze_1 = x @ enc_w + enc_b
    nn_1 = _nearest(ze_1, emb1)
    zq_1 = jnp.take(emb1, nn_1, axis=0)
    ze_2 = ze_1 - zq_1
    nn_2 = _nearest(ze_2, emb2)
    zq_2 = jnp.take(emb2, nn_2, axis=0)
    ze_3 = ze_2 - zq_2
    nn_3 = _nearest(ze_3, emb3)
    zq_3 = jnp.take(emb3, nn_3, axis=0)
    ze_4 = ze_3 - zq_3
    nn_4 = _nearest(ze_4, emb4)
    zq_4 = jnp.take(emb4, nn_4, axis=0)
    decoder_input = ze_1 + jax.lax.stop_gradient(-ze_1 + (zq_1 + zq_2 + zq_3 + zq_4))
    x_hat = decoder_input @ dec_w + dec_b
    return (x_hat, ze_1, ze_2, ze_3, ze_4, zq_1, zq_2, zq_3, zq_4, nn_1, nn_2, nn_3, nn_4)

if __name__ == "__main__":
    import jax
    _d = setup_inputs()
    print(jax.jit(kernel)(*tuple(_d.values())))

</pallas_src>

<mosaic_0001>
#map = affine_map<(d0, d1) -> (0, 0)>
#map1 = affine_map<(d0, d1) -> (0)>
module attributes {stable_mosaic.version = 14 : i64} {
  func.func @_sc_gather(%arg0: i32, %arg1: i32, %arg2: memref<8192x256xf32, #tpu.memory_space<hbm>>, %arg3: memref<4096xi32, #tpu.memory_space<hbm>>, %arg4: memref<4096x256xf32, #tpu.memory_space<hbm>>, %arg5: memref<128xi32, #tpu.memory_space<vmem>>, %arg6: memref<128x256xf32, #tpu.memory_space<vmem>>, %arg7: memref<!tpu.dma_semaphore, #tpu.memory_space<semaphore_mem>>) attributes {dimension_semantics = [#tpu.dimension_semantics<core_parallel>, #tpu.dimension_semantics<subcore_parallel>], iteration_bounds = array<i64: 2, 16>, scalar_prefetch = 0 : i64, scratch_operands = 3 : i64, tpu.core_type = #tpu.core_type<sc_vector_subcore>, window_params = [{transform_indices = #map}, {transform_indices = #map1}, {transform_indices = #map}]} {
    %mul3A = arith.constant 2 : i32
    %mul3A_0 = arith.muli %arg1, %mul3A : i32
    %add3A = arith.addi %mul3A_0, %arg0 : i32
    %mul3A_1 = arith.constant 128 : i32
    %mul3A_2 = arith.muli %add3A, %mul3A_1 : i32
    "tpu.region"() ({
      %run_scoped3A = tpu.sem_alloc : memref<!tpu.dma_semaphore, #tpu.memory_space<semaphore_mem>>
      %dma_start3A_7 = tpu.memref_slice %arg3[%mul3A_2] : memref<4096xi32, #tpu.memory_space<hbm>> -> memref<128xi32, #tpu.memory_space<hbm>>
      %dma_start3A_8 = tpu.memref_slice %arg3[%mul3A_2] : memref<4096xi32, #tpu.memory_space<hbm>> -> memref<128xi32, #tpu.memory_space<hbm>>
      tpu.enqueue_dma source(%dma_start3A_8 : memref<128xi32, #tpu.memory_space<hbm>>) target(%arg5 : memref<128xi32, #tpu.memory_space<vmem>>) target_semaphore(%run_scoped3A : memref<!tpu.dma_semaphore, #tpu.memory_space<semaphore_mem>>)
      %dma_wait3A_9 = tpu.memref_slice %arg3[%mul3A_2] : memref<4096xi32, #tpu.memory_space<hbm>> -> memref<128xi32, #tpu.memory_space<hbm>>
      %dma_wait3A_10 = tpu.memref_slice %arg3[%mul3A_2] : memref<4096xi32, #tpu.memory_space<hbm>> -> memref<128xi32, #tpu.memory_space<hbm>>
      tpu.wait_dma2 semaphore(%run_scoped3A : memref<!tpu.dma_semaphore, #tpu.memory_space<semaphore_mem>>) src(%dma_wait3A_10 : memref<128xi32, #tpu.memory_space<hbm>>) dst(%arg5 : memref<128xi32, #tpu.memory_space<vmem>>)
      tpu.yield
    }) : () -> ()
    %dma_start3A = arith.constant 0 : i32
    %dma_start3A_3 = arith.constant 0 : i32
    %dma_start3A_4 = tpu.memref_slice %arg2[%dma_start3A, %dma_start3A_3] : memref<8192x256xf32, #tpu.memory_space<hbm>> -> memref<8192x256xf32, #tpu.memory_space<hbm>>
    tpu.enqueue_indirect_dma source(%dma_start3A_4 : memref<8192x256xf32, #tpu.memory_space<hbm>>) target(%arg6 : memref<128x256xf32, #tpu.memory_space<vmem>>) offsets(%arg5 : memref<128xi32, #tpu.memory_space<vmem>>) semaphore(%arg7 : memref<!tpu.dma_semaphore, #tpu.memory_space<semaphore_mem>>)
    %dma_wait3A = arith.constant 0 : i32
    %dma_wait3A_5 = arith.constant 0 : i32
    %dma_wait3A_6 = tpu.memref_slice %arg2[%dma_wait3A, %dma_wait3A_5] : memref<8192x256xf32, #tpu.memory_space<hbm>> -> memref<8192x256xf32, #tpu.memory_space<hbm>>
    tpu.wait_indirect_dma semaphore(%arg7 : memref<!tpu.dma_semaphore, #tpu.memory_space<semaphore_mem>>) src(%dma_wait3A_6 : memref<8192x256xf32, #tpu.memory_space<hbm>>) dst(%arg6 : memref<128x256xf32, #tpu.memory_space<vmem>>)
    "tpu.region"() ({
      %run_scoped3A = tpu.sem_alloc : memref<!tpu.dma_semaphore, #tpu.memory_space<semaphore_mem>>
      %dma_start3A_7 = arith.constant 0 : i32
      %dma_start3A_8 = tpu.memref_slice %arg4[%mul3A_2, %dma_start3A_7] : memref<4096x256xf32, #tpu.memory_space<hbm>> -> memref<128x256xf32, #tpu.memory_space<hbm>>
      %dma_start3A_9 = arith.constant 0 : i32
      %dma_start3A_10 = tpu.memref_slice %arg4[%mul3A_2, %dma_start3A_9] : memref<4096x256xf32, #tpu.memory_space<hbm>> -> memref<128x256xf32, #tpu.memory_space<hbm>>
      tpu.enqueue_dma source(%arg6 : memref<128x256xf32, #tpu.memory_space<vmem>>) target(%dma_start3A_10 : memref<128x256xf32, #tpu.memory_space<hbm>>) target_semaphore(%run_scoped3A : memref<!tpu.dma_semaphore, #tpu.memory_space<semaphore_mem>>)
      %dma_wait3A_11 = arith.constant 0 : i32
      %dma_wait3A_12 = tpu.memref_slice %arg4[%mul3A_2, %dma_wait3A_11] : memref<4096x256xf32, #tpu.memory_space<hbm>> -> memref<128x256xf32, #tpu.memory_space<hbm>>
      %dma_wait3A_13 = arith.constant 0 : i32
      %dma_wait3A_14 = tpu.memref_slice %arg4[%mul3A_2, %dma_wait3A_13] : memref<4096x256xf32, #tpu.memory_space<hbm>> -> memref<128x256xf32, #tpu.memory_space<hbm>>
      tpu.wait_dma2 semaphore(%run_scoped3A : memref<!tpu.dma_semaphore, #tpu.memory_space<semaphore_mem>>) src(%arg6 : memref<128x256xf32, #tpu.memory_space<vmem>>) dst(%dma_wait3A_14 : memref<128x256xf32, #tpu.memory_space<hbm>>)
      tpu.yield
    }) : () -> ()
    return
  }
}

#map = affine_map<(d0, d1) -> (0, 0)>
#map1 = affine_map<(d0, d1) -> (0)>
module attributes {stable_mosaic.version = 14 : i64} {
  func.func @_sc_gather(%arg0: i32, %arg1: i32, %arg2: memref<8192x256xf32, #tpu.memory_space<hbm>>, %arg3: memref<4096xi32, #tpu.memory_space<hbm>>, %arg4: memref<4096x256xf32, #tpu.memory_space<hbm>>, %arg5: memref<128xi32, #tpu.memory_space<vmem>>, %arg6: memref<128x256xf32, #tpu.memory_space<vmem>>, %arg7: memref<!tpu.dma_semaphore, #tpu.memory_space<semaphore_mem>>) attributes {dimension_semantics = [#tpu.dimension_semantics<core_parallel>, #tpu.dimension_semantics<subcore_parallel>], iteration_bounds = array<i64: 2, 16>, scalar_prefetch = 0 : i64, scratch_operands = 3 : i64, tpu.core_type = #tpu.core_type<sc_vector_subcore>, window_params = [{transform_indices = #map}, {transform_indices = #map1}, {transform_indices = #map}]} {
    %mul3A = arith.constant 2 : i32
    %mul3A_0 = arith.muli %arg1, %mul3A : i32
    %add3A = arith.addi %mul3A_0, %arg0 : i32
    %mul3A_1 = arith.constant 128 : i32
    %mul3A_2 = arith.muli %add3A, %mul3A_1 : i32
    "tpu.region"() ({
      %run_scoped3A = tpu.sem_alloc : memref<!tpu.dma_semaphore, #tpu.memory_space<semaphore_mem>>
      %dma_start3A_7 = tpu.memref_slice %arg3[%mul3A_2] : memref<4096xi32, #tpu.memory_space<hbm>> -> memref<128xi32, #tpu.memory_space<hbm>>
      %dma_start3A_8 = tpu.memref_slice %arg3[%mul3A_2] : memref<4096xi32, #tpu.memory_space<hbm>> -> memref<128xi32, #tpu.memory_space<hbm>>
      tpu.enqueue_dma source(%dma_start3A_8 : memref<128xi32, #tpu.memory_space<hbm>>) target(%arg5 : memref<128xi32, #tpu.memory_space<vmem>>) target_semaphore(%run_scoped3A : memref<!tpu.dma_semaphore, #tpu.memory_space<semaphore_mem>>)
      %dma_wait3A_9 = tpu.memref_slice %arg3[%mul3A_2] : memref<4096xi32, #tpu.memory_space<hbm>> -> memref<128xi32, #tpu.memory_space<hbm>>
      %dma_wait3A_10 = tpu.memref_slice %arg3[%mul3A_2] : memref<4096xi32, #tpu.memory_space<hbm>> -> memref<128xi32, #tpu.memory_space<hbm>>
      tpu.wait_dma2 semaphore(%run_scoped3A : memref<!tpu.dma_semaphore, #tpu.memory_space<semaphore_mem>>) src(%dma_wait3A_10 : memref<128xi32, #tpu.memory_space<hbm>>) dst(%arg5 : memref<128xi32, #tpu.memory_space<vmem>>)
      tpu.yield
    }) : () -> ()
    %dma_start3A = arith.constant 0 : i32
    %dma_start3A_3 = arith.constant 0 : i32
    %dma_start3A_4 = tpu.memref_slice %arg2[%dma_start3A, %dma_start3A_3] : memref<8192x256xf32, #tpu.memory_space<hbm>> -> memref<8192x256xf32, #tpu.memory_space<hbm>>
    tpu.enqueue_indirect_dma source(%dma_start3A_4 : memref<8192x256xf32, #tpu.memory_space<hbm>>) target(%arg6 : memref<128x256xf32, #tpu.memory_space<vmem>>) offsets(%arg5 : memref<128xi32, #tpu.memory_space<vmem>>) semaphore(%arg7 : memref<!tpu.dma_semaphore, #tpu.memory_space<semaphore_mem>>)
    %dma_wait3A = arith.constant 0 : i32
    %dma_wait3A_5 = arith.constant 0 : i32
    %dma_wait3A_6 = tpu.memref_slice %arg2[%dma_wait3A, %dma_wait3A_5] : memref<8192x256xf32, #tpu.memory_space<hbm>> -> memref<8192x256xf32, #tpu.memory_space<hbm>>
    tpu.wait_indirect_dma semaphore(%arg7 : memref<!tpu.dma_semaphore, #tpu.memory_space<semaphore_mem>>) src(%dma_wait3A_6 : memref<8192x256xf32, #tpu.memory_space<hbm>>) dst(%arg6 : memref<128x256xf32, #tpu.memory_space<vmem>>)
    "tpu.region"() ({
      %run_scoped3A = tpu.sem_alloc : memref<!tpu.dma_semaphore, #tpu.memory_space<semaphore_mem>>
      %dma_start3A_7 = arith.constant 0 : i32
      %dma_start3A_8 = tpu.memref_slice %arg4[%mul3A_2, %dma_start3A_7] : memref<4096x256xf32, #tpu.memory_space<hbm>> -> memref<128x256xf32, #tpu.memory_space<hbm>>
      %dma_start3A_9 = arith.constant 0 : i32
      %dma_start3A_10 = tpu.memref_slice %arg4[%mul3A_2, %dma_start3A_9] : memref<4096x256xf32, #tpu.memory_space<hbm>> -> memref<128x256xf32, #tpu.memory_space<hbm>>
      tpu.enqueue_dma source(%arg6 : memref<128x256xf32, #tpu.memory_space<vmem>>) target(%dma_start3A_10 : memref<128x256xf32, #tpu.memory_space<hbm>>) target_semaphore(%run_scoped3A : memref<!tpu.dma_semaphore, #tpu.memory_space<semaphore_mem>>)
      %dma_wait3A_11 = arith.constant 0 : i32
      %dma_wait3A_12 = tpu.memref_slice %arg4[%mul3A_2, %dma_wait3A_11] : memref<4096x256xf32, #tpu.memory_space<hbm>> -> memref<128x256xf32, #tpu.memory_space<hbm>>
      %dma_wait3A_13 = arith.constant 0 : i32
      %dma_wait3A_14 = tpu.memref_slice %arg4[%mul3A_2, %dma_wait3A_13] : memref<4096x256xf32, #tpu.memory_space<hbm>> -> memref<128x256xf32, #tpu.memory_space<hbm>>
      tpu.wait_dma2 semaphore(%run_scoped3A : memref<!tpu.dma_semaphore, #tpu.memory_space<semaphore_mem>>) src(%arg6 : memref<128x256xf32, #tpu.memory_space<vmem>>) dst(%dma_wait3A_14 : memref<128x256xf32, #tpu.memory_space<hbm>>)
      tpu.yield
    }) : () -> ()
    return
  }
}

#map = affine_map<(d0, d1) -> (0, 0)>
#map1 = affine_map<(d0, d1) -> (0)>
module attributes {stable_mosaic.version = 14 : i64} {
  func.func @_sc_gather(%arg0: i32, %arg1: i32, %arg2: memref<8192x256xf32, #tpu.memory_space<hbm>>, %arg3: memref<4096xi32, #tpu.memory_space<hbm>>, %arg4: memref<4096x256xf32, #tpu.memory_space<hbm>>, %arg5: memref<128xi32, #tpu.memory_space<vmem>>, %arg6: memref<128x256xf32, #tpu.memory_space<vmem>>, %arg7: memref<!tpu.dma_semaphore, #tpu.memory_space<semaphore_mem>>) attributes {dimension_semantics = [#tpu.dimension_semantics<core_parallel>, #tpu.dimension_semantics<subcore_parallel>], iteration_bounds = array<i64: 2, 16>, scalar_prefetch = 0 : i64, scratch_operands = 3 : i64, tpu.core_type = #tpu.core_type<sc_vector_subcore>, window_params = [{transform_indices = #map}, {transform_indices = #map1}, {transform_indices = #map}]} {
    %mul3A = arith.constant 2 : i32
    %mul3A_0 = arith.muli %arg1, %mul3A : i32
    %add3A = arith.addi %mul3A_0, %arg0 : i32
    %mul3A_1 = arith.constant 128 : i32
    %mul3A_2 = arith.muli %add3A, %mul3A_1 : i32
    "tpu.region"() ({
      %run_scoped3A = tpu.sem_alloc : memref<!tpu.dma_semaphore, #tpu.memory_space<semaphore_mem>>
      %dma_start3A_7 = tpu.memref_slice %arg3[%mul3A_2] : memref<4096xi32, #tpu.memory_space<hbm>> -> memref<128xi32, #tpu.memory_space<hbm>>
      %dma_start3A_8 = tpu.memref_slice %arg3[%mul3A_2] : memref<4096xi32, #tpu.memory_space<hbm>> -> memref<128xi32, #tpu.memory_space<hbm>>
      tpu.enqueue_dma source(%dma_start3A_8 : memref<128xi32, #tpu.memory_space<hbm>>) target(%arg5 : memref<128xi32, #tpu.memory_space<vmem>>) target_semaphore(%run_scoped3A : memref<!tpu.dma_semaphore, #tpu.memory_space<semaphore_mem>>)
      %dma_wait3A_9 = tpu.memref_slice %arg3[%mul3A_2] : memref<4096xi32, #tpu.memory_space<hbm>> -> memref<128xi32, #tpu.memory_space<hbm>>
      %dma_wait3A_10 = tpu.memref_slice %arg3[%mul3A_2] : memref<4096xi32, #tpu.memory_space<hbm>> -> memref<128xi32, #tpu.memory_space<hbm>>
      tpu.wait_dma2 semaphore(%run_scoped3A : memref<!tpu.dma_semaphore, #tpu.memory_space<semaphore_mem>>) src(%dma_wait3A_10 : memref<128xi32, #tpu.memory_space<hbm>>) dst(%arg5 : memref<128xi32, #tpu.memory_space<vmem>>)
      tpu.yield
    }) : () -> ()
    %dma_start3A = arith.constant 0 : i32
    %dma_start3A_3 = arith.constant 0 : i32
    %dma_start3A_4 = tpu.memref_slice %arg2[%dma_start3A, %dma_start3A_3] : memref<8192x256xf32, #tpu.memory_space<hbm>> -> memref<8192x256xf32, #tpu.memory_space<hbm>>
    tpu.enqueue_indirect_dma source(%dma_start3A_4 : memref<8192x256xf32, #tpu.memory_space<hbm>>) target(%arg6 : memref<128x256xf32, #tpu.memory_space<vmem>>) offsets(%arg5 : memref<128xi32, #tpu.memory_space<vmem>>) semaphore(%arg7 : memref<!tpu.dma_semaphore, #tpu.memory_space<semaphore_mem>>)
    %dma_wait3A = arith.constant 0 : i32
    %dma_wait3A_5 = arith.constant 0 : i32
    %dma_wait3A_6 = tpu.memref_slice %arg2[%dma_wait3A, %dma_wait3A_5] : memref<8192x256xf32, #tpu.memory_space<hbm>> -> memref<8192x256xf32, #tpu.memory_space<hbm>>
    tpu.wait_indirect_dma semaphore(%arg7 : memref<!tpu.dma_semaphore, #tpu.memory_space<semaphore_mem>>) src(%dma_wait3A_6 : memref<8192x256xf32, #tpu.memory_space<hbm>>) dst(%arg6 : memref<128x256xf32, #tpu.memory_space<vmem>>)
    "tpu.region"() ({
      %run_scoped3A = tpu.sem_alloc : memref<!tpu.dma_semaphore, #tpu.memory_space<semaphore_mem>>
      %dma_start3A_7 = arith.constant 0 : i32
      %dma_start3A_8 = tpu.memref_slice %arg4[%mul3A_2, %dma_start3A_7] : memref<4096x256xf32, #tpu.memory_space<hbm>> -> memref<128x256xf32, #tpu.memory_space<hbm>>
      %dma_start3A_9 = arith.constant 0 : i32
      %dma_start3A_10 = tpu.memref_slice %arg4[%mul3A_2, %dma_start3A_9] : memref<4096x256xf32, #tpu.memory_space<hbm>> -> memref<128x256xf32, #tpu.memory_space<hbm>>
      tpu.enqueue_dma source(%arg6 : memref<128x256xf32, #tpu.memory_space<vmem>>) target(%dma_start3A_10 : memref<128x256xf32, #tpu.memory_space<hbm>>) target_semaphore(%run_scoped3A : memref<!tpu.dma_semaphore, #tpu.memory_space<semaphore_mem>>)
      %dma_wait3A_11 = arith.constant 0 : i32
      %dma_wait3A_12 = tpu.memref_slice %arg4[%mul3A_2, %dma_wait3A_11] : memref<4096x256xf32, #tpu.memory_space<hbm>> -> memref<128x256xf32, #tpu.memory_space<hbm>>
      %dma_wait3A_13 = arith.constant 0 : i32
      %dma_wait3A_14 = tpu.memref_slice %arg4[%mul3A_2, %dma_wait3A_13] : memref<4096x256xf32, #tpu.memory_space<hbm>> -> memref<128x256xf32, #tpu.memory_space<hbm>>
      tpu.wait_dma2 semaphore(%run_scoped3A : memref<!tpu.dma_semaphore, #tpu.memory_space<semaphore_mem>>) src(%arg6 : memref<128x256xf32, #tpu.memory_space<vmem>>) dst(%dma_wait3A_14 : memref<128x256xf32, #tpu.memory_space<hbm>>)
      tpu.yield
    }) : () -> ()
    return
  }
}

#map = affine_map<(d0, d1) -> (0, 0)>
#map1 = affine_map<(d0, d1) -> (0)>
module attributes {stable_mosaic.version = 14 : i64} {
  func.func @_sc_gather(%arg0: i32, %arg1: i32, %arg2: memref<8192x256xf32, #tpu.memory_space<hbm>>, %arg3: memref<4096xi32, #tpu.memory_space<hbm>>, %arg4: memref<4096x256xf32, #tpu.memory_space<hbm>>, %arg5: memref<128xi32, #tpu.memory_space<vmem>>, %arg6: memref<128x256xf32, #tpu.memory_space<vmem>>, %arg7: memref<!tpu.dma_semaphore, #tpu.memory_space<semaphore_mem>>) attributes {dimension_semantics = [#tpu.dimension_semantics<core_parallel>, #tpu.dimension_semantics<subcore_parallel>], iteration_bounds = array<i64: 2, 16>, scalar_prefetch = 0 : i64, scratch_operands = 3 : i64, tpu.core_type = #tpu.core_type<sc_vector_subcore>, window_params = [{transform_indices = #map}, {transform_indices = #map1}, {transform_indices = #map}]} {
    %mul3A = arith.constant 2 : i32
    %mul3A_0 = arith.muli %arg1, %mul3A : i32
    %add3A = arith.addi %mul3A_0, %arg0 : i32
    %mul3A_1 = arith.constant 128 : i32
    %mul3A_2 = arith.muli %add3A, %mul3A_1 : i32
    "tpu.region"() ({
      %run_scoped3A = tpu.sem_alloc : memref<!tpu.dma_semaphore, #tpu.memory_space<semaphore_mem>>
      %dma_start3A_7 = tpu.memref_slice %arg3[%mul3A_2] : memref<4096xi32, #tpu.memory_space<hbm>> -> memref<128xi32, #tpu.memory_space<hbm>>
      %dma_start3A_8 = tpu.memref_slice %arg3[%mul3A_2] : memref<4096xi32, #tpu.memory_space<hbm>> -> memref<128xi32, #tpu.memory_space<hbm>>
      tpu.enqueue_dma source(%dma_start3A_8 : memref<128xi32, #tpu.memory_space<hbm>>) target(%arg5 : memref<128xi32, #tpu.memory_space<vmem>>) target_semaphore(%run_scoped3A : memref<!tpu.dma_semaphore, #tpu.memory_space<semaphore_mem>>)
      %dma_wait3A_9 = tpu.memref_slice %arg3[%mul3A_2] : memref<4096xi32, #tpu.memory_space<hbm>> -> memref<128xi32, #tpu.memory_space<hbm>>
      %dma_wait3A_10 = tpu.memref_slice %arg3[%mul3A_2] : memref<4096xi32, #tpu.memory_space<hbm>> -> memref<128xi32, #tpu.memory_space<hbm>>
      tpu.wait_dma2 semaphore(%run_scoped3A : memref<!tpu.dma_semaphore, #tpu.memory_space<semaphore_mem>>) src(%dma_wait3A_10 : memref<128xi32, #tpu.memory_space<hbm>>) dst(%arg5 : memref<128xi32, #tpu.memory_space<vmem>>)
      tpu.yield
    }) : () -> ()
    %dma_start3A = arith.constant 0 : i32
    %dma_start3A_3 = arith.constant 0 : i32
    %dma_start3A_4 = tpu.memref_slice %arg2[%dma_start3A, %dma_start3A_3] : memref<8192x256xf32, #tpu.memory_space<hbm>> -> memref<8192x256xf32, #tpu.memory_space<hbm>>
    tpu.enqueue_indirect_dma source(%dma_start3A_4 : memref<8192x256xf32, #tpu.memory_space<hbm>>) target(%arg6 : memref<128x256xf32, #tpu.memory_space<vmem>>) offsets(%arg5 : memref<128xi32, #tpu.memory_space<vmem>>) semaphore(%arg7 : memref<!tpu.dma_semaphore, #tpu.memory_space<semaphore_mem>>)
    %dma_wait3A = arith.constant 0 : i32
    %dma_wait3A_5 = arith.constant 0 : i32
    %dma_wait3A_6 = tpu.memref_slice %arg2[%dma_wait3A, %dma_wait3A_5] : memref<8192x256xf32, #tpu.memory_space<hbm>> -> memref<8192x256xf32, #tpu.memory_space<hbm>>
    tpu.wait_indirect_dma semaphore(%arg7 : memref<!tpu.dma_semaphore, #tpu.memory_space<semaphore_mem>>) src(%dma_wait3A_6 : memref<8192x256xf32, #tpu.memory_space<hbm>>) dst(%arg6 : memref<128x256xf32, #tpu.memory_space<vmem>>)
    "tpu.region"() ({
      %run_scoped3A = tpu.sem_alloc : memref<!tpu.dma_semaphore, #tpu.memory_space<semaphore_mem>>
      %dma_start3A_7 = arith.constant 0 : i32
      %dma_start3A_8 = tpu.memref_slice %arg4[%mul3A_2, %dma_start3A_7] : memref<4096x256xf32, #tpu.memory_space<hbm>> -> memref<128x256xf32, #tpu.memory_space<hbm>>
      %dma_start3A_9 = arith.constant 0 : i32
      %dma_start3A_10 = tpu.memref_slice %arg4[%mul3A_2, %dma_start3A_9] : memref<4096x256xf32, #tpu.memory_space<hbm>> -> memref<128x256xf32, #tpu.memory_space<hbm>>
      tpu.enqueue_dma source(%arg6 : memref<128x256xf32, #tpu.memory_space<vmem>>) target(%dma_start3A_10 : memref<128x256xf32, #tpu.memory_space<hbm>>) target_semaphore(%run_scoped3A : memref<!tpu.dma_semaphore, #tpu.memory_space<semaphore_mem>>)
      %dma_wait3A_11 = arith.constant 0 : i32
      %dma_wait3A_12 = tpu.memref_slice %arg4[%mul3A_2, %dma_wait3A_11] : memref<4096x256xf32, #tpu.memory_space<hbm>> -> memref<128x256xf32, #tpu.memory_space<hbm>>
      %dma_wait3A_13 = arith.constant 0 : i32
      %dma_wait3A_14 = tpu.memref_slice %arg4[%mul3A_2, %dma_wait3A_13] : memref<4096x256xf32, #tpu.memory_space<hbm>> -> memref<128x256xf32, #tpu.memory_space<hbm>>
      tpu.wait_dma2 semaphore(%run_scoped3A : memref<!tpu.dma_semaphore, #tpu.memory_space<semaphore_mem>>) src(%arg6 : memref<128x256xf32, #tpu.memory_space<vmem>>) dst(%dma_wait3A_14 : memref<128x256xf32, #tpu.memory_space<hbm>>)
      tpu.yield
    }) : () -> ()
    return
  }
}

module attributes {stable_mosaic.version = 14 : i64} {
  func.func @_stage1_body(%arg0: i32, %arg1: memref<256x768xf32, #tpu.memory_space<vmem>>, %arg2: memref<768x256xf32, #tpu.memory_space<vmem>>, %arg3: memref<1x256xf32, #tpu.memory_space<vmem>>, %arg4: memref<8192x256xf32, #tpu.memory_space<vmem>>, %arg5: memref<1x8192xf32, #tpu.memory_space<vmem>>, %arg6: memref<256x256xf32, #tpu.memory_space<vmem>>, %arg7: memref<256x1xi32, #tpu.memory_space<vmem>>) attributes {dimension_semantics = [#tpu.dimension_semantics<arbitrary>], iteration_bounds = array<i64: 16>, scalar_prefetch = 0 : i64, scratch_operands = 0 : i64, tpu.core_type = #tpu.core_type<tc>, window_params = [{transform_indices = @transform_0, window_bounds = array<i64: 256, 768>}, {pipeline_mode = #tpu.pipeline_mode<synchronous>, transform_indices = @transform_1, window_bounds = array<i64: 768, 256>}, {pipeline_mode = #tpu.pipeline_mode<synchronous>, transform_indices = @transform_2, window_bounds = array<i64: 1, 256>}, {pipeline_mode = #tpu.pipeline_mode<synchronous>, transform_indices = @transform_3, window_bounds = array<i64: 8192, 256>}, {pipeline_mode = #tpu.pipeline_mode<synchronous>, transform_indices = @transform_4, window_bounds = array<i64: 1, 8192>}, {transform_indices = @transform_5, window_bounds = array<i64: 256, 256>}, {transform_indices = @transform_6, window_bounds = array<i64: 256, 1>}]} {
    %get3A = arith.constant 0 : index
    %get3A_0 = arith.constant 0 : index
    %get3A_1 = vector.load %arg1[%get3A, %get3A_0] : memref<256x768xf32, #tpu.memory_space<vmem>>, vector<256x768xf32>
    %get3A_2 = arith.constant 0 : index
    %get3A_3 = arith.constant 0 : index
    %get3A_4 = vector.load %arg2[%get3A_2, %get3A_3] : memref<768x256xf32, #tpu.memory_space<vmem>>, vector<768x256xf32>
    %dot_general3A = arith.constant dense<0.000000e+00> : vector<256x256xf32>
    %dot_general3A_5 = tpu.matmul %get3A_1, %get3A_4, %dot_general3A {dimension_numbers = #tpu.dot_dimension_numbers<[1], [0], [0], [1], [0, 0, 1, 1], [], []>, transpose_lhs_hint = false} : vector<256x768xf32>, vector<768x256xf32>, vector<256x256xf32> -> vector<256x256xf32>
    %get3A_6 = arith.constant 0 : index
    %get3A_7 = arith.constant 0 : index
    %get3A_8 = vector.load %arg3[%get3A_6, %get3A_7] : memref<1x256xf32, #tpu.memory_space<vmem>>, vector<1x256xf32>
    %add3A = vector.broadcast %get3A_8 : vector<1x256xf32> to vector<256x256xf32>
    %add3A_9 = arith.addf %dot_general3A_5, %add3A : vector<256x256xf32>
    %swap3A = arith.constant 0 : index
    %swap3A_10 = arith.constant 0 : index
    %swap3A_11 = vector.load %arg6[%swap3A, %swap3A_10] : memref<256x256xf32, #tpu.memory_space<vmem>>, vector<256x256xf32>
    tpu.vector_store %arg6[%swap3A, %swap3A_10], %add3A_9 {strides = array<i32>} : memref<256x256xf32, #tpu.memory_space<vmem>>, vector<256x256xf32>,
    %get3A_12 = arith.constant 0 : index
    %get3A_13 = arith.constant 0 : index
    %get3A_14 = vector.load %arg4[%get3A_12, %get3A_13] : memref<8192x256xf32, #tpu.memory_space<vmem>>, vector<8192x256xf32>
    %get3A_15 = arith.constant 0 : index
    %get3A_16 = arith.constant 0 : index
    %get3A_17 = vector.load %arg5[%get3A_15, %get3A_16] : memref<1x8192xf32, #tpu.memory_space<vmem>>, vector<1x8192xf32>
    %mul3A = arith.mulf %add3A_9, %add3A_9 : vector<256x256xf32>
    %reduce_sum3A = arith.constant dense<0.000000e+00> : vector<256xf32>
    %reduce_sum3A_18 = vector.multi_reduction <add>, %mul3A, %reduce_sum3A [1] : vector<256x256xf32> to vector<256xf32>
    %broadcast_in_dim3A = vector.shape_cast %reduce_sum3A_18 : vector<256xf32> to vector<256x1xf32>
    %dot_general3A_19 = arith.constant dense<0.000000e+00> : vector<256x8192xf32>
    %dot_general3A_20 = tpu.matmul %add3A_9, %get3A_14, %dot_general3A_19 {dimension_numbers = #tpu.dot_dimension_numbers<[1], [1], [0], [0], [0, 0, 1, 0], [], []>, transpose_lhs_hint = false} : vector<256x256xf32>, vector<8192x256xf32>, vector<256x8192xf32> -> vector<256x8192xf32>
    %add3A_21 = vector.broadcast %broadcast_in_dim3A : vector<256x1xf32> to vector<256x8192xf32>
    %add3A_22 = vector.broadcast %get3A_17 : vector<1x8192xf32> to vector<256x8192xf32>
    %add3A_23 = arith.addf %add3A_21, %add3A_22 : vector<256x8192xf32>
    %mul3A_24 = arith.constant 2.000000e+00 : f32
    %mul3A_25 = vector.broadcast %mul3A_24 : f32 to vector<256x8192xf32>
    %mul3A_26 = arith.mulf %mul3A_25, %dot_general3A_20 : vector<256x8192xf32>
    %sub3A = arith.subf %add3A_23, %mul3A_26 : vector<256x8192xf32>
    %reduce_min3A = arith.constant dense<0x7F800000> : vector<256xf32>
    %reduce_min3A_27 = vector.multi_reduction <minimumf>, %sub3A, %reduce_min3A [1] : vector<256x8192xf32> to vector<256xf32>
    %broadcast_in_dim3A_28 = vector.shape_cast %reduce_min3A_27 : vector<256xf32> to vector<256x1xf32>
    %iota3A = tpu.iota {dimensions = array<i32: 1>} : vector<256x8192xi32>
    %eq3A = vector.broadcast %broadcast_in_dim3A_28 : vector<256x1xf32> to vector<256x8192xf32>
    %eq3A_29 = arith.cmpf oeq, %sub3A, %eq3A : vector<256x8192xf32>
    %jit3A = arith.constant 8192 : i32
    %broadcast_in_dim3A_30 = vector.broadcast %jit3A : i32 to vector<256x8192xi32>
    %select_n3A = arith.select %eq3A_29, %iota3A, %broadcast_in_dim3A_30 : vector<256x8192xi1>, vector<256x8192xi32>
    %reduce_min3A_31 = arith.constant dense<2147483647> : vector<256xi32>
    %reduce_min3A_32 = vector.multi_reduction <minsi>, %select_n3A, %reduce_min3A_31 [1] : vector<256x8192xi32> to vector<256xi32>
    %broadcast_in_dim3A_33 = vector.shape_cast %reduce_min3A_32 : vector<256xi32> to vector<256x1xi32>
    %swap3A_34 = arith.constant 0 : index
    %swap3A_35 = arith.constant 0 : index
    %swap3A_36 = vector.load %arg7[%swap3A_34, %swap3A_35] : memref<256x1xi32, #tpu.memory_space<vmem>>, vector<256x1xi32>
    tpu.vector_store %arg7[%swap3A_34, %swap3A_35], %broadcast_in_dim3A_33 {strides = array<i32>} : memref<256x1xi32, #tpu.memory_space<vmem>>, vector<256x1xi32>,
    return
  }
  func.func @transform_0(%arg0: i32) -> (i32, i32) {
    %c0_i32 = arith.constant 0 : i32
    %c0_i32_0 = arith.constant 0 : i32
    return %arg0, %c0_i32 : i32, i32
  }
  func.func @transform_1(%arg0: i32) -> (i32, i32) {
    %c0_i32 = arith.constant 0 : i32
    %c0_i32_0 = arith.constant 0 : i32
    %c0_i32_1 = arith.constant 0 : i32
    return %c0_i32, %c0_i32_0 : i32, i32
  }
  func.func @transform_2(%arg0: i32) -> (i32, i32) {
    %c0_i32 = arith.constant 0 : i32
    %c0_i32_0 = arith.constant 0 : i32
    %c0_i32_1 = arith.constant 0 : i32
    return %c0_i32, %c0_i32_0 : i32, i32
  }
  func.func @transform_3(%arg0: i32) -> (i32, i32) {
    %c0_i32 = arith.constant 0 : i32
    %c0_i32_0 = arith.constant 0 : i32
    %c0_i32_1 = arith.constant 0 : i32
    return %c0_i32, %c0_i32_0 : i32, i32
  }
  func.func @transform_4(%arg0: i32) -> (i32, i32) {
    %c0_i32 = arith.constant 0 : i32
    %c0_i32_0 = arith.constant 0 : i32
    %c0_i32_1 = arith.constant 0 : i32
    return %c0_i32, %c0_i32_0 : i32, i32
  }
  func.func @transform_5(%arg0: i32) -> (i32, i32) {
    %c0_i32 = arith.constant 0 : i32
    %c0_i32_0 = arith.constant 0 : i32
    return %arg0, %c0_i32 : i32, i32
  }
  func.func @transform_6(%arg0: i32) -> (i32, i32) {
    %c0_i32 = arith.constant 0 : i32
    %c0_i32_0 = arith.constant 0 : i32
    return %arg0, %c0_i32 : i32, i32
  }
}

module attributes {stable_mosaic.version = 14 : i64} {
  func.func @_enorm_body(%arg0: memref<8192x256xf32, #tpu.memory_space<vmem>>, %arg1: memref<8192x256xf32, #tpu.memory_space<vmem>>, %arg2: memref<8192x256xf32, #tpu.memory_space<vmem>>, %arg3: memref<8192x256xf32, #tpu.memory_space<vmem>>, %arg4: memref<1x8192xf32, #tpu.memory_space<vmem>>, %arg5: memref<1x8192xf32, #tpu.memory_space<vmem>>, %arg6: memref<1x8192xf32, #tpu.memory_space<vmem>>, %arg7: memref<1x8192xf32, #tpu.memory_space<vmem>>) attributes {dimension_semantics = [], scalar_prefetch = 0 : i64, scratch_operands = 0 : i64, tpu.core_type = #tpu.core_type<tc>} {
    %broadcast_in_dim3A = arith.constant 1.000000e+00 : f32
    %broadcast_in_dim3A_0 = vector.broadcast %broadcast_in_dim3A : f32 to vector<1x256xf32>
    %get3A = arith.constant 0 : index
    %get3A_1 = arith.constant 0 : index
    %get3A_2 = vector.load %arg0[%get3A, %get3A_1] : memref<8192x256xf32, #tpu.memory_space<vmem>>, vector<8192x256xf32>
    %mul3A = arith.mulf %get3A_2, %get3A_2 : vector<8192x256xf32>
    %dot_general3A = arith.constant dense<0.000000e+00> : vector<1x8192xf32>
    %dot_general3A_3 = tpu.matmul %broadcast_in_dim3A_0, %mul3A, %dot_general3A {dimension_numbers = #tpu.dot_dimension_numbers<[1], [1], [0], [0], [0, 0, 1, 0], [], []>, precision = #tpu.contract_precision<fp32>, transpose_lhs_hint = false} : vector<1x256xf32>, vector<8192x256xf32>, vector<1x8192xf32> -> vector<1x8192xf32>
    %swap3A = arith.constant 0 : index
    %swap3A_4 = arith.constant 0 : index
    %swap3A_5 = vector.load %arg4[%swap3A, %swap3A_4] : memref<1x8192xf32, #tpu.memory_space<vmem>>, vector<1x8192xf32>
    tpu.vector_store %arg4[%swap3A, %swap3A_4], %dot_general3A_3 {strides = array<i32>} : memref<1x8192xf32, #tpu.memory_space<vmem>>, vector<1x8192xf32>,
    %get3A_6 = arith.constant 0 : index
    %get3A_7 = arith.constant 0 : index
    %get3A_8 = vector.load %arg1[%get3A_6, %get3A_7] : memref<8192x256xf32, #tpu.memory_space<vmem>>, vector<8192x256xf32>
    %mul3A_9 = arith.mulf %get3A_8, %get3A_8 : vector<8192x256xf32>
    %dot_general3A_10 = arith.constant dense<0.000000e+00> : vector<1x8192xf32>
    %dot_general3A_11 = tpu.matmul %broadcast_in_dim3A_0, %mul3A_9, %dot_general3A_10 {dimension_numbers = #tpu.dot_dimension_numbers<[1], [1], [0], [0], [0, 0, 1, 0], [], []>, precision = #tpu.contract_precision<fp32>, transpose_lhs_hint = false} : vector<1x256xf32>, vector<8192x256xf32>, vector<1x8192xf32> -> vector<1x8192xf32>
    %swap3A_12 = arith.constant 0 : index
    %swap3A_13 = arith.constant 0 : index
    %swap3A_14 = vector.load %arg5[%swap3A_12, %swap3A_13] : memref<1x8192xf32, #tpu.memory_space<vmem>>, vector<1x8192xf32>
    tpu.vector_store %arg5[%swap3A_12, %swap3A_13], %dot_general3A_11 {strides = array<i32>} : memref<1x8192xf32, #tpu.memory_space<vmem>>, vector<1x8192xf32>,
    %get3A_15 = arith.constant 0 : index
    %get3A_16 = arith.constant 0 : index
    %get3A_17 = vector.load %arg2[%get3A_15, %get3A_16] : memref<8192x256xf32, #tpu.memory_space<vmem>>, vector<8192x256xf32>
    %mul3A_18 = arith.mulf %get3A_17, %get3A_17 : vector<8192x256xf32>
    %dot_general3A_19 = arith.constant dense<0.000000e+00> : vector<1x8192xf32>
    %dot_general3A_20 = tpu.matmul %broadcast_in_dim3A_0, %mul3A_18, %dot_general3A_19 {dimension_numbers = #tpu.dot_dimension_numbers<[1], [1], [0], [0], [0, 0, 1, 0], [], []>, precision = #tpu.contract_precision<fp32>, transpose_lhs_hint = false} : vector<1x256xf32>, vector<8192x256xf32>, vector<1x8192xf32> -> vector<1x8192xf32>
    %swap3A_21 = arith.constant 0 : index
    %swap3A_22 = arith.constant 0 : index
    %swap3A_23 = vector.load %arg6[%swap3A_21, %swap3A_22] : memref<1x8192xf32, #tpu.memory_space<vmem>>, vector<1x8192xf32>
    tpu.vector_store %arg6[%swap3A_21, %swap3A_22], %dot_general3A_20 {strides = array<i32>} : memref<1x8192xf32, #tpu.memory_space<vmem>>, vector<1x8192xf32>,
    %get3A_24 = arith.constant 0 : index
    %get3A_25 = arith.constant 0 : index
    %get3A_26 = vector.load %arg3[%get3A_24, %get3A_25] : memref<8192x256xf32, #tpu.memory_space<vmem>>, vector<8192x256xf32>
    %mul3A_27 = arith.mulf %get3A_26, %get3A_26 : vector<8192x256xf32>
    %dot_general3A_28 = arith.constant dense<0.000000e+00> : vector<1x8192xf32>
    %dot_general3A_29 = tpu.matmul %broadcast_in_dim3A_0, %mul3A_27, %dot_general3A_28 {dimension_numbers = #tpu.dot_dimension_numbers<[1], [1], [0], [0], [0, 0, 1, 0], [], []>, precision = #tpu.contract_precision<fp32>, transpose_lhs_hint = false} : vector<1x256xf32>, vector<8192x256xf32>, vector<1x8192xf32> -> vector<1x8192xf32>
    %swap3A_30 = arith.constant 0 : index
    %swap3A_31 = arith.constant 0 : index
    %swap3A_32 = vector.load %arg7[%swap3A_30, %swap3A_31] : memref<1x8192xf32, #tpu.memory_space<vmem>>, vector<1x8192xf32>
    tpu.vector_store %arg7[%swap3A_30, %swap3A_31], %dot_general3A_29 {strides = array<i32>} : memref<1x8192xf32, #tpu.memory_space<vmem>>, vector<1x8192xf32>,
    return
  }
}

module attributes {stable_mosaic.version = 14 : i64} {
  func.func @_stage_body(%arg0: i32, %arg1: memref<256x256xf32, #tpu.memory_space<vmem>>, %arg2: memref<256x256xf32, #tpu.memory_space<vmem>>, %arg3: memref<8192x256xf32, #tpu.memory_space<vmem>>, %arg4: memref<1x8192xf32, #tpu.memory_space<vmem>>, %arg5: memref<256x256xf32, #tpu.memory_space<vmem>>, %arg6: memref<256x1xi32, #tpu.memory_space<vmem>>) attributes {dimension_semantics = [#tpu.dimension_semantics<arbitrary>], iteration_bounds = array<i64: 16>, scalar_prefetch = 0 : i64, scratch_operands = 0 : i64, tpu.core_type = #tpu.core_type<tc>, window_params = [{transform_indices = @transform_0, window_bounds = array<i64: 256, 256>}, {transform_indices = @transform_1, window_bounds = array<i64: 256, 256>}, {pipeline_mode = #tpu.pipeline_mode<synchronous>, transform_indices = @transform_2, window_bounds = array<i64: 8192, 256>}, {pipeline_mode = #tpu.pipeline_mode<synchronous>, transform_indices = @transform_3, window_bounds = array<i64: 1, 8192>}, {transform_indices = @transform_4, window_bounds = array<i64: 256, 256>}, {transform_indices = @transform_5, window_bounds = array<i64: 256, 1>}]} {
    %get3A = arith.constant 0 : index
    %get3A_0 = arith.constant 0 : index
    %get3A_1 = vector.load %arg1[%get3A, %get3A_0] : memref<256x256xf32, #tpu.memory_space<vmem>>, vector<256x256xf32>
    %get3A_2 = arith.constant 0 : index
    %get3A_3 = arith.constant 0 : index
    %get3A_4 = vector.load %arg2[%get3A_2, %get3A_3] : memref<256x256xf32, #tpu.memory_space<vmem>>, vector<256x256xf32>
    %sub3A = arith.subf %get3A_1, %get3A_4 : vector<256x256xf32>
    %swap3A = arith.constant 0 : index
    %swap3A_5 = arith.constant 0 : index
    %swap3A_6 = vector.load %arg5[%swap3A, %swap3A_5] : memref<256x256xf32, #tpu.memory_space<vmem>>, vector<256x256xf32>
    tpu.vector_store %arg5[%swap3A, %swap3A_5], %sub3A {strides = array<i32>} : memref<256x256xf32, #tpu.memory_space<vmem>>, vector<256x256xf32>,
    %get3A_7 = arith.constant 0 : index
    %get3A_8 = arith.constant 0 : index
    %get3A_9 = vector.load %arg3[%get3A_7, %get3A_8] : memref<8192x256xf32, #tpu.memory_space<vmem>>, vector<8192x256xf32>
    %get3A_10 = arith.constant 0 : index
    %get3A_11 = arith.constant 0 : index
    %get3A_12 = vector.load %arg4[%get3A_10, %get3A_11] : memref<1x8192xf32, #tpu.memory_space<vmem>>, vector<1x8192xf32>
    %mul3A = arith.mulf %sub3A, %sub3A : vector<256x256xf32>
    %reduce_sum3A = arith.constant dense<0.000000e+00> : vector<256xf32>
    %reduce_sum3A_13 = vector.multi_reduction <add>, %mul3A, %reduce_sum3A [1] : vector<256x256xf32> to vector<256xf32>
    %broadcast_in_dim3A = vector.shape_cast %reduce_sum3A_13 : vector<256xf32> to vector<256x1xf32>
    %dot_general3A = arith.constant dense<0.000000e+00> : vector<256x8192xf32>
    %dot_general3A_14 = tpu.matmul %sub3A, %get3A_9, %dot_general3A {dimension_numbers = #tpu.dot_dimension_numbers<[1], [1], [0], [0], [0, 0, 1, 0], [], []>, transpose_lhs_hint = false} : vector<256x256xf32>, vector<8192x256xf32>, vector<256x8192xf32> -> vector<256x8192xf32>
    %add3A = vector.broadcast %broadcast_in_dim3A : vector<256x1xf32> to vector<256x8192xf32>
    %add3A_15 = vector.broadcast %get3A_12 : vector<1x8192xf32> to vector<256x8192xf32>
    %add3A_16 = arith.addf %add3A, %add3A_15 : vector<256x8192xf32>
    %mul3A_17 = arith.constant 2.000000e+00 : f32
    %mul3A_18 = vector.broadcast %mul3A_17 : f32 to vector<256x8192xf32>
    %mul3A_19 = arith.mulf %mul3A_18, %dot_general3A_14 : vector<256x8192xf32>
    %sub3A_20 = arith.subf %add3A_16, %mul3A_19 : vector<256x8192xf32>
    %reduce_min3A = arith.constant dense<0x7F800000> : vector<256xf32>
    %reduce_min3A_21 = vector.multi_reduction <minimumf>, %sub3A_20, %reduce_min3A [1] : vector<256x8192xf32> to vector<256xf32>
    %broadcast_in_dim3A_22 = vector.shape_cast %reduce_min3A_21 : vector<256xf32> to vector<256x1xf32>
    %iota3A = tpu.iota {dimensions = array<i32: 1>} : vector<256x8192xi32>
    %eq3A = vector.broadcast %broadcast_in_dim3A_22 : vector<256x1xf32> to vector<256x8192xf32>
    %eq3A_23 = arith.cmpf oeq, %sub3A_20, %eq3A : vector<256x8192xf32>
    %jit3A = arith.constant 8192 : i32
    %broadcast_in_dim3A_24 = vector.broadcast %jit3A : i32 to vector<256x8192xi32>
    %select_n3A = arith.select %eq3A_23, %iota3A, %broadcast_in_dim3A_24 : vector<256x8192xi1>, vector<256x8192xi32>
    %reduce_min3A_25 = arith.constant dense<2147483647> : vector<256xi32>
    %reduce_min3A_26 = vector.multi_reduction <minsi>, %select_n3A, %reduce_min3A_25 [1] : vector<256x8192xi32> to vector<256xi32>
    %broadcast_in_dim3A_27 = vector.shape_cast %reduce_min3A_26 : vector<256xi32> to vector<256x1xi32>
    %swap3A_28 = arith.constant 0 : index
    %swap3A_29 = arith.constant 0 : index
    %swap3A_30 = vector.load %arg6[%swap3A_28, %swap3A_29] : memref<256x1xi32, #tpu.memory_space<vmem>>, vector<256x1xi32>
    tpu.vector_store %arg6[%swap3A_28, %swap3A_29], %broadcast_in_dim3A_27 {strides = array<i32>} : memref<256x1xi32, #tpu.memory_space<vmem>>, vector<256x1xi32>,
    return
  }
  func.func @transform_0(%arg0: i32) -> (i32, i32) {
    %c0_i32 = arith.constant 0 : i32
    %c0_i32_0 = arith.constant 0 : i32
    return %arg0, %c0_i32 : i32, i32
  }
  func.func @transform_1(%arg0: i32) -> (i32, i32) {
    %c0_i32 = arith.constant 0 : i32
    %c0_i32_0 = arith.constant 0 : i32
    return %arg0, %c0_i32 : i32, i32
  }
  func.func @transform_2(%arg0: i32) -> (i32, i32) {
    %c0_i32 = arith.constant 0 : i32
    %c0_i32_0 = arith.constant 0 : i32
    %c0_i32_1 = arith.constant 0 : i32
    return %c0_i32, %c0_i32_0 : i32, i32
  }
  func.func @transform_3(%arg0: i32) -> (i32, i32) {
    %c0_i32 = arith.constant 0 : i32
    %c0_i32_0 = arith.constant 0 : i32
    %c0_i32_1 = arith.constant 0 : i32
    return %c0_i32, %c0_i32_0 : i32, i32
  }
  func.func @transform_4(%arg0: i32) -> (i32, i32) {
    %c0_i32 = arith.constant 0 : i32
    %c0_i32_0 = arith.constant 0 : i32
    return %arg0, %c0_i32 : i32, i32
  }
  func.func @transform_5(%arg0: i32) -> (i32, i32) {
    %c0_i32 = arith.constant 0 : i32
    %c0_i32_0 = arith.constant 0 : i32
    return %arg0, %c0_i32 : i32, i32
  }
}

module attributes {stable_mosaic.version = 14 : i64} {
  func.func @_dec_body(%arg0: i32, %arg1: memref<256x256xf32, #tpu.memory_space<vmem>>, %arg2: memref<256x256xf32, #tpu.memory_space<vmem>>, %arg3: memref<256x256xf32, #tpu.memory_space<vmem>>, %arg4: memref<256x256xf32, #tpu.memory_space<vmem>>, %arg5: memref<256x256xf32, #tpu.memory_space<vmem>>, %arg6: memref<256x768xf32, #tpu.memory_space<vmem>>, %arg7: memref<1x768xf32, #tpu.memory_space<vmem>>, %arg8: memref<256x768xf32, #tpu.memory_space<vmem>>) attributes {dimension_semantics = [#tpu.dimension_semantics<arbitrary>], iteration_bounds = array<i64: 16>, scalar_prefetch = 0 : i64, scratch_operands = 0 : i64, tpu.core_type = #tpu.core_type<tc>, window_params = [{transform_indices = @transform_0, window_bounds = array<i64: 256, 256>}, {transform_indices = @transform_1, window_bounds = array<i64: 256, 256>}, {transform_indices = @transform_2, window_bounds = array<i64: 256, 256>}, {transform_indices = @transform_3, window_bounds = array<i64: 256, 256>}, {transform_indices = @transform_4, window_bounds = array<i64: 256, 256>}, {pipeline_mode = #tpu.pipeline_mode<synchronous>, transform_indices = @transform_5, window_bounds = array<i64: 256, 768>}, {pipeline_mode = #tpu.pipeline_mode<synchronous>, transform_indices = @transform_6, window_bounds = array<i64: 1, 768>}, {transform_indices = @transform_7, window_bounds = array<i64: 256, 768>}]} {
    %get3A = arith.constant 0 : index
    %get3A_0 = arith.constant 0 : index
    %get3A_1 = vector.load %arg1[%get3A, %get3A_0] : memref<256x256xf32, #tpu.memory_space<vmem>>, vector<256x256xf32>
    %get3A_2 = arith.constant 0 : index
    %get3A_3 = arith.constant 0 : index
    %get3A_4 = vector.load %arg2[%get3A_2, %get3A_3] : memref<256x256xf32, #tpu.memory_space<vmem>>, vector<256x256xf32>
    %get3A_5 = arith.constant 0 : index
    %get3A_6 = arith.constant 0 : index
    %get3A_7 = vector.load %arg3[%get3A_5, %get3A_6] : memref<256x256xf32, #tpu.memory_space<vmem>>, vector<256x256xf32>
    %add3A = arith.addf %get3A_4, %get3A_7 : vector<256x256xf32>
    %get3A_8 = arith.constant 0 : index
    %get3A_9 = arith.constant 0 : index
    %get3A_10 = vector.load %arg4[%get3A_8, %get3A_9] : memref<256x256xf32, #tpu.memory_space<vmem>>, vector<256x256xf32>
    %add3A_11 = arith.addf %add3A, %get3A_10 : vector<256x256xf32>
    %get3A_12 = arith.constant 0 : index
    %get3A_13 = arith.constant 0 : index
    %get3A_14 = vector.load %arg5[%get3A_12, %get3A_13] : memref<256x256xf32, #tpu.memory_space<vmem>>, vector<256x256xf32>
    %add3A_15 = arith.addf %add3A_11, %get3A_14 : vector<256x256xf32>
    %neg3A = arith.constant 0.000000e+00 : f32
    %neg3A_16 = vector.broadcast %neg3A : f32 to vector<256x256xf32>
    %neg3A_17 = arith.subf %neg3A_16, %get3A_1 : vector<256x256xf32>
    %add3A_18 = arith.addf %neg3A_17, %add3A_15 : vector<256x256xf32>
    %add3A_19 = arith.addf %get3A_1, %add3A_18 : vector<256x256xf32>
    %get3A_20 = arith.constant 0 : index
    %get3A_21 = arith.constant 0 : index
    %get3A_22 = vector.load %arg6[%get3A_20, %get3A_21] : memref<256x768xf32, #tpu.memory_space<vmem>>, vector<256x768xf32>
    %dot_general3A = arith.constant dense<0.000000e+00> : vector<256x768xf32>
    %dot_general3A_23 = tpu.matmul %add3A_19, %get3A_22, %dot_general3A {dimension_numbers = #tpu.dot_dimension_numbers<[1], [0], [0], [1], [0, 0, 1, 1], [], []>, transpose_lhs_hint = false} : vector<256x256xf32>, vector<256x768xf32>, vector<256x768xf32> -> vector<256x768xf32>
    %get3A_24 = arith.constant 0 : index
    %get3A_25 = arith.constant 0 : index
    %get3A_26 = vector.load %arg7[%get3A_24, %get3A_25] : memref<1x768xf32, #tpu.memory_space<vmem>>, vector<1x768xf32>
    %add3A_27 = vector.broadcast %get3A_26 : vector<1x768xf32> to vector<256x768xf32>
    %add3A_28 = arith.addf %dot_general3A_23, %add3A_27 : vector<256x768xf32>
    %swap3A = arith.constant 0 : index
    %swap3A_29 = arith.constant 0 : index
    %swap3A_30 = vector.load %arg8[%swap3A, %swap3A_29] : memref<256x768xf32, #tpu.memory_space<vmem>>, vector<256x768xf32>
    tpu.vector_store %arg8[%swap3A, %swap3A_29], %add3A_28 {strides = array<i32>} : memref<256x768xf32, #tpu.memory_space<vmem>>, vector<256x768xf32>,
    return
  }
  func.func @transform_0(%arg0: i32) -> (i32, i32) {
    %c0_i32 = arith.constant 0 : i32
    %c0_i32_0 = arith.constant 0 : i32
    return %arg0, %c0_i32 : i32, i32
  }
  func.func @transform_1(%arg0: i32) -> (i32, i32) {
    %c0_i32 = arith.constant 0 : i32
    %c0_i32_0 = arith.constant 0 : i32
    return %arg0, %c0_i32 : i32, i32
  }
  func.func @transform_2(%arg0: i32) -> (i32, i32) {
    %c0_i32 = arith.constant 0 : i32
    %c0_i32_0 = arith.constant 0 : i32
    return %arg0, %c0_i32 : i32, i32
  }
  func.func @transform_3(%arg0: i32) -> (i32, i32) {
    %c0_i32 = arith.constant 0 : i32
    %c0_i32_0 = arith.constant 0 : i32
    return %arg0, %c0_i32 : i32, i32
  }
  func.func @transform_4(%arg0: i32) -> (i32, i32) {
    %c0_i32 = arith.constant 0 : i32
    %c0_i32_0 = arith.constant 0 : i32
    return %arg0, %c0_i32 : i32, i32
  }
  func.func @transform_5(%arg0: i32) -> (i32, i32) {
    %c0_i32 = arith.constant 0 : i32
    %c0_i32_0 = arith.constant 0 : i32
    %c0_i32_1 = arith.constant 0 : i32
    return %c0_i32, %c0_i32_0 : i32, i32
  }
  func.func @transform_6(%arg0: i32) -> (i32, i32) {
    %c0_i32 = arith.constant 0 : i32
    %c0_i32_0 = arith.constant 0 : i32
    %c0_i32_1 = arith.constant 0 : i32
    return %c0_i32, %c0_i32_0 : i32, i32
  }
  func.func @transform_7(%arg0: i32) -> (i32, i32) {
    %c0_i32 = arith.constant 0 : i32
    %c0_i32_0 = arith.constant 0 : i32
    return %arg0, %c0_i32 : i32, i32
  }
}

</mosaic_0001>

<sc_bundles>
// kernel: kernel.12.cloned.1.call-start
scs
__scs_entry_jumppad:
0x0: {  	(pc) =	sbr.rel $0x88, $3  }
0x1: {  	(tag) =	ssettag $0x0;
	lr =	simm.s32 $0x1  }
0x2: {  	[smem:$0x3F98] =	sst lr;
	_ =	strace $0xD0000000  }
0x3: {  	_ = 	snop  }
0x4: {  	_ = 	snop  }
0x5: {  	_ = 	snop  }
0x6: {  	_ = 	snop  }
0x7: {  	_ = 	snop  }
__scs_overlays_trampoline_lowered:
0x8: {  	[smem:$0x3FA7] =	sst s0  }
0x9: {  	[smem:$0x3FA8] =	sst s1  }
0xa: {  	[smem:$0x3FA9] =	sst s2  }
0xb: {  	[smem:$0x3FAA] =	sst s3  }
0xc: {  	[smem:$0x3FAB] =	sst s4  }
0xd: {  	[smem:$0x3FAC] =	sst s5  }
0xe: {  	[smem:$0x3FAD] =	sst s6  }
0xf: {  	[smem:$0x3FAE] =	sst s7  }
0x10: {  	[smem:$0x3FAF] =	sst s8  }
0x11: {  	[smem:$0x3FB0] =	sst s9;
	s0 =	simm.s32 @!p0 $0x0  }
0x12: {  	s1 =	sld [smem:$0x3F96];
	s0 =	simm.s32 @p0 $0x1  }
0x13: {  	[smem:$0x3FB1] =	sst s0;
	s0 =	simm.s32 @!p1 $0x0  }
0x14: {  	s2 =	sld [smem:$0x3F95];
	s0 =	simm.s32 @p1 $0x1  }
0x15: {  	[smem:$0x3FB2] =	sst s0;
	s0 =	simm.s32 @!p2 $0x0  }
0x16: {  	s3 =	sld [smem:$0x3FDB];
	s0 =	simm.s32 @p2 $0x1  }
0x17: {  	s4 =	simm.s32 $0x1BF5;
	[smem:$0x3FB4] =	sst s0  }
0x18: {  	s0 =	sld [smem:$0x3F97];
	_ =	swait.ge [sflag:s4], $0x0  }
0x19: {  	s7 =	sld [smem:$0x3F98]  }
0x1a: {  	s8 =	sadd.s32 $0xFFFFE003, lr  }
0x1b: {  	s9 =	sadd.s32 $0xFFFFFEF7, lr;
	s5 =	simm.s32 $0xFFFFFFFF;
	p2 =	slt.u32 s8, $0xFFFFF086  }
0x1c: {  	p1 =	slt.u32 s9, $0xF7A;
	s5 =	simm.s32 @!p2 $0x0  }
0x1d: {  	s5 =	simm.s32 @p1 $0x1;
	p0 =	seq.s32 s7, s2  }
0x1e: {  	s7 =	smul.u32 @!p0 $0xF7A, s2;
	p2 =	seq.s32 @!p0 s5, $0x0  }
0x1f: {  	s9 =	smul.u32 $0xF7A, s1;
	s8 =	simm.s32 @!p0 $0x1BF5;
	p2 =	por !p2, p0  }
0x20: {  	[sflag:s8] =	ssyncset.s32 @!p0 $0xFFFFF086;
	s6 =	sadd.s32 @!p0 s3, s7;
	s7 =	simm.s32 @!p0 $0x108  }
0x21: {  	s3 =	sadd.s32 s3, s9;
	s6 =	sadd.s32 @!p0 $0x88, s6;
	s7 =	simm.s32 @p2 $0x1082  }
0x22: {  	[simem:s7], [sflag:s8] =	dma.local @!p0 [hbm:s6], $0xF7A  }
0x23: {  	s9 =	sor.u32 $0xD0000000, s2;
	s6 =	simm.s32 $0x108;
	_ =	swait.ge @!p0 [sflag:s8], $0x0  }
0x24: {  	s3 =	sadd.s32 $0x88, s3;
	s6 =	simm.s32 @!p1 $0x1082;
	[sflag:s4] =	ssyncset.s32 $0xFFFFF086  }
0x25: {  	[simem:s6], [sflag:s4] =	dma.local [hbm:s3], $0xF7A  }
0x26: {  	[smem:$0x3F98] =	sst s1;
	(tag) =	ssettag s2;
	_ =	strace s9  }
0x27: {  	s1 =	sld [smem:$0x3FA8]  }
0x28: {  	s2 =	sld [smem:$0x3FA9]  }
0x29: {  	s4 =	sld [smem:$0x3FAB]  }
0x2a: {  	p0 =	seq.s32 s5, $0x0;
	s5 =	sld [smem:$0x3FAC]  }
0x2b: {  	s6 =	sld [smem:$0x3FAD]  }
0x2c: {  	s7 =	sld [smem:$0x3FAE]  }
0x2d: {  	s3 =	simm.s32 $0x108;
	s8 =	sld [smem:$0x3FAF]  }
0x2e: {  	s3 =	simm.s32 @!p0 $0x1082;
	s9 =	sld [smem:$0x3FB0]  }
0x2f: {  	lr =	sadd.s32 s0, s3;
	s0 =	sld [smem:$0x3FA7]  }
0x30: {  	s3 =	sld [smem:$0x3FAA]  }
0x31: {  	[smem:$0x3FB3] =	sst s10  }
0x32: {  	s10 =	sld [smem:$0x3FB1];
	_ =	sdelay $0x3  }
0x33: {  	p0 =	seq.s32 s10, $0x1;
	s10 =	sld [smem:$0x3FB3];
	_ =	sdelay $0x3  }
0x34: {  	[smem:$0x3FB3] =	sst s10  }
0x35: {  	s10 =	sld [smem:$0x3FB2];
	_ =	sdelay $0x3  }
0x36: {  	p1 =	seq.s32 s10, $0x1;
	s10 =	sld [smem:$0x3FB3];
	_ =	sdelay $0x3  }
0x37: {  	[smem:$0x3FB3] =	sst s10  }
0x38: {  	s10 =	sld [smem:$0x3FB4]  }
0x39: {  	_ = 	snop;
	(pc) =	sbr.ind lr, $3  }
0x3a: {  	_ = 	snop  }
0x3b: {  	_ = 	snop  }
0x3c: {  	p2 =	seq.s32 s10, $0x1;
	s10 =	sld [smem:$0x3FB3]  }
0x3d: {  	_ =	shalt  }
0x3e: {  	_ =	shalt  }
0x3f: {  	_ =	shalt  }
0x40: {  	_ =	shalt  }
0x41: {  	_ =	shalt  }
0x42: {  	_ =	shalt  }
0x43: {  	_ =	shalt  }
0x44: {  	_ =	shalt  }
0x45: {  	_ =	shalt  }
0x46: {  	_ =	shalt  }
0x47: {  	_ =	shalt  }
0x48: {  	_ =	shalt  }
0x49: {  	_ =	shalt  }
0x4a: {  	_ =	shalt  }
0x4b: {  	_ =	shalt  }
0x4c: {  	_ =	shalt  }
0x4d: {  	_ =	shalt  }
0x4e: {  	_ =	shalt  }
0x4f: {  	_ =	shalt  }
0x50: {  	_ =	shalt  }
0x51: {  	_ =	shalt  }
0x52: {  	_ =	shalt  }
0x53: {  	_ =	shalt  }
0x54: {  	_ =	shalt  }
0x55: {  	_ =	shalt  }
0x56: {  	_ =	shalt  }
0x57: {  	_ =	shalt  }
0x58: {  	_ =	shalt  }
0x59: {  	_ =	shalt  }
0x5a: {  	_ =	shalt  }
0x5b: {  	_ =	shalt  }
0x5c: {  	_ =	shalt  }
0x5d: {  	_ =	shalt  }
0x5e: {  	_ =	shalt  }
0x5f: {  	_ =	shalt  }
0x60: {  	_ =	shalt  }
0x61: {  	_ =	shalt  }
0x62: {  	_ =	shalt  }
0x63: {  	_ =	shalt  }
0x64: {  	_ =	shalt  }
0x65: {  	_ =	shalt  }
0x66: {  	_ =	shalt  }
0x67: {  	_ =	shalt  }
0x68: {  	_ =	shalt  }
0x69: {  	_ =	shalt  }
0x6a: {  	_ =	shalt  }
0x6b: {  	_ =	shalt  }
0x6c: {  	_ =	shalt  }
0x6d: {  	_ =	shalt  }
0x6e: {  	_ =	shalt  }
0x6f: {  	_ =	shalt  }
0x70: {  	_ =	shalt  }
0x71: {  	_ =	shalt  }
0x72: {  	_ =	shalt  }
0x73: {  	_ =	shalt  }
0x74: {  	_ =	shalt  }
0x75: {  	_ =	shalt  }
0x76: {  	_ =	shalt  }
0x77: {  	_ =	shalt  }
0x78: {  	_ =	shalt  }
0x79: {  	_ =	shalt  }
0x7a: {  	_ =	shalt  }
0x7b: {  	_ =	shalt  }
0x7c: {  	_ =	shalt  }
0x7d: {  	_ =	shalt  }
0x7e: {  	_ =	shalt  }
0x7f: {  	_ =	shalt  }
0x80: {  	_ =	shalt  }
0x81: {  	_ =	shalt  }
0x82: {  	_ =	shalt  }
0x83: {  	_ =	shalt  }
0x84: {  	_ =	shalt  }
0x85: {  	_ =	shalt  }
0x86: {  	_ =	shalt  }
0x87: {  	_ =	shalt  }
.Lfunc_end0:
.L_simem_size_0:
called_computation_lowered:
.L_overlay_start_0:
0x88: {  	s2 =	sld [smem:$0x3FD9]  }
0x89: {  	s3 =	sld [smem:$0x3FFE];
	_ =	sdelay $0x1  }
0x8a: {  	s1 =	srdreg.scid  }
0x8b: {  	s0 =	sand.u32 $0x1, s1  }
0x8c: {  	s15 =	sshll.u32 s0, $0xA;
	s2 =	sadd.s32 s3, s2  }
0x8d: {  	s2 =	sadd.s32 s2, s15  }
0x8e: {  	[smem:$0x3FBF] =	sst s2  }
0x8f: {  	_ = 	snop  }
0x90: {  	s2 =	sld [smem:$0x3FD0];
	_ =	sdelay $0x2  }
0x91: {  	s4 =	simm.s32 $0xA;
	s5 =	simm.s32 $0x10;
	s16 =	sld [smem:$0x3FC6]  }
0x92: {  	[smem:s5], [sflag:s4] =	dma.local [hbm:s2], $0x1  }
0x93: {  	_ =	swait.eq [sflag:s4], $0x1  }
0x94: {  	[sflag:s4] =	ssyncset.done $0x0  }
0x95: {  	[sflag:s4] =	ssyncadd.s32 $0xFFFFFFFF  }
0x96: {  	s2 =	sadd.s32 $0x1, s2;
	s6 =	sld [smem:$0x15]  }
0x97: {  	[smem:s5], [sflag:s4] =	dma.local [hbm:s2], $0x1  }
0x98: {  	_ =	swait.eq [sflag:s4], $0x1  }
0x99: {  	[sflag:s4] =	ssyncset.done $0x0  }
0x9a: {  	[sflag:s4] =	ssyncadd.s32 $0xFFFFFFFF  }
0x9b: {  	s17 =	sld [smem:$0x11];
	(tm) =	ssettm $0x1  }
0x9c: {  	s18 =	sld [smem:$0x3FFB];
	_ =	sdelay $0x3  }
0x9d: {  	_ =	strace s18  }
0x9e: {  	s4 =	sld [smem:$0x3FFC];
	_ =	sdelay $0x3  }
0x9f: {  	_ =	strace s4  }
0xa0: {  	s4 =	sld [smem:$0x3FFD];
	_ =	sdelay $0x3  }
0xa1: {  	_ =	strace s4  }
0xa2: {  	_ =	strace $0x8FFFFFFF  }
0xa3: {  	s19 =	sld [smem:$0x3FDB];
	_ =	sdelay $0x1  }
0xa4: {  	s20 =	simm.s32 $_scs_section_size  }
0xa5: {  	s7 =	simm.s32 $_size__tile_overlayer_lowered;
	s8 =	simm.s32 $_tile_overlayer_lowered  }
0xa6: {  	s23 =	simm.s32 $0x1BFF;
	s22 =	sshll.u32 s8, $0x1;
	s4 =	sadd.s32 s20, s19  }
0xa7: {  	s9 =	simm.s32 $0x0;
	s21 =	sshll.u32 s7, $0x1;
	s7 =	sadd.s32 s22, s4  }
0xa8: {  	[timem:s9], [sflag:s23] =	dma.local [hbm:s7], s21  }
0xa9: {  	_ =	swait.ge [sflag:s23], s21  }
0xaa: {  	s5 =	ssub.s32 $0x0, s21;
	[sflag:s23] =	ssyncset.done $0x0  }
0xab: {  	[sflag:s23] =	ssyncadd.s32 s5;
	_ =	sdelay $0x1  }
0xac: {  	s24 =	simm.s32 $0x1B8B  }
0xad: {  	_ =	swait.ge [sflag:s24], $0x1  }
0xae: {  	[sflag:s24] =	ssyncset.done $0x0  }
0xaf: {  	s25 =	simm.s32 $0x1B8E;
	[sflag:s24] =	ssyncadd.s32 $0xFFFFFFFF  }
0xb0: {  	s26 =	simm.s32 $execute0_lowered;
	[smem:$0x3FD2] =	sst s25  }
0xb1: {  	s5 =	sshll.u32 s26, $0x1;
	_ =	strace $0x80000046;
	[dreg:$0x1] =	wrdreg $0xFFFFFFFF  }
0xb2: {  	s28 =	simm.s32 $_size_execute0_lowered;
	s4 =	sadd.s32 s4, s5;
	[dreg:$0x0] =	wrdreg $0x0  }
0xb3: {  	s5 =	sshll.u32 s28, $0x1;
	[dreg:$0x2] =	wrdreg s4  }
0xb4: {  	[dreg:$0x3] =	wrdreg s5  }
0xb5: {  	[dreg:$0x4] =	wrdreg $0xC0  }
0xb6: {  	_ =	task [dreg:s9], $0x5FFFF  }
0xb7: {  	[dreg:$0x1] =	wrdreg $0xFFFFFFFF  }
0xb8: {  	[dreg:$0x0] =	wrdreg $0x60  }
0xb9: {  	[dreg:$0x2] =	wrdreg s16  }
0xba: {  	[dreg:$0x3] =	wrdreg s17  }
0xbb: {  	[dreg:$0x4] =	wrdreg s6  }
0xbc: {  	[dreg:$0x5] =	wrdreg $0x9  }
0xbd: {  	_ =	task.clear_ibuf [dreg:s9], $0x6FFFF;
	_ =	strace $0x90000046  }
0xbe: {  	s29 =	simm.s32 $0x9;
	_ =	strace $0x80000048  }
0xbf: {  	_ =	swait.ge [sflag:s29], $0x1  }
0xc0: {  	[sflag:s29] =	ssyncadd.s32 $0xFFFFFFFF  }
0xc1: {  	_ =	strace $0x90000048  }
0xc2: {  	_ =	sfence  }
0xc3: {  	s30 =	sld [smem:$0x0];
	_ =	sdelay $0x2  }
0xc4: {  	s31 =	sshll.u32 s1, $0xD;
	s1 =	sshrl.u32 s1, $0x2  }
0xc5: {  	s3 =	sand.u32 $0x4000, s31;
	s1 =	sadd.s32 s1, s30  }
0xc6: {  	s0 =	sor.u32 s3, s0;
	s1 =	sshll.u32 s1, $0x11  }
0xc7: {  	s0 =	sor.u32 s1, s0  }
0xc8: {  	s0 =	sadd.s32 $0x8F2B, s0  }
0xc9: {  	[sflag:s0] =	ssyncadd.remote.s32 $0x1  }
0xca: {  	_ =	sfence.sel $0xFFFF  }
0xcb: {  	[dreg:$0x0] =	wrdreg $0xFFFFFFFF;
	(pc) =	sbr.abs _section_cstart, $3  }
0xcc: {  	[dreg:$0x1] =	wrdreg $0xFFFFFFFF  }
0xcd: {  	_ =	task.clear_ibuf [dreg:s9], $0x2FFFF;
	_ =	strace $0x9FFFFFFF  }
0xce: {  	(tm) =	ssettm $0x7FFFFFFF  }
0xcf: {  	_ =	shalt  }
tec
execute0_lowered:
.L_overlay_start_1:
0x0: {  	(tag) =	ssettag $0x1  }
0x1: {  	s1 =	rddreg [dreg:$0x0]  }
0x2: {  	s4 =	rddreg [dreg:$0x1]  }
0x3: {  	s5 =	rddreg [dreg:$0x2]  }
0x4: {  	s0 =	rddreg [dreg:$0x3];
	s3 =	simm.s32 $0x0;
	s6 =	srdreg.scid  }
0x5: {  	s2 =	stileid.u32;
	s10 =	simm.s32 $0x1080;
	s11 =	simm.s32 $0x1880  }
0x6: {  	s12 =	simm.s32 $0x2080;
	s13 =	simm.s32 $0x2880;
	s14 =	simm.s32 $0x3080  }
0x7: {  	s15 =	simm.s32 $0x3880;
	s16 =	simm.s32 $0x4080;
	s17 =	simm.s32 $0x4880  }
0x8: {  	s18 =	simm.s32 $0x5080;
	s19 =	simm.s32 $0x5880;
	s20 =	simm.s32 $0x6080  }
0x9: {  	s21 =	simm.s32 $0x6880;
	s22 =	simm.s32 $0x7080;
	s23 =	simm.s32 $0x7880  }
0xa: {  	s24 =	simm.s32 $0x1;
	[smem:$0x7FF] =	sst s3;
	s6 =	sand.u32 $0x1, s6  }
0xb: {  	s8 =	sshll.u32 s2, $0x8;
	s7 =	ssub.s32 $0x2, s6;
	s6 =	sshll.u32 s6, $0x7  }
0xc: {  	_ =	strace $0x80000047;
	s9 =	sshrl.u32 s7, $0x1;
	s6 =	sor.u32 s6, s8  }
0xd: {  	v2 =	vlaneseq.u32;
	s7 =	ssub.s32 s7, s9;
	s8 =	sshrl.u32 s6, $0x3;
	s6 =	sshll.u32 s6, $0x5  }
0xe: {  	vm0 =	vmmov $0xffff;
	v1 =	vshrl.u32 v2, $0x3;
	s9 =	simm.s32 $0x880;
	s4 =	sadd.s32 s4, s8;
	s5 =	sadd.s32 s5, s6  }
0xf: {  	v0 =	vand.u32 $0x7, v2;
	v2 =	vor.u32 $0x8, v2;
	v1 =	vmul.u32 $0x8, v1;
	s6 =	smax.u32 s7, $0x1;
	s7 =	simm.s32 $0x2;
	s8 =	simm.s32 $0x80  }
.LBB2_1:
0x10: {  	[tilespmem:s3], [sflag:$0x2] =	stream.linear.gather [hbm4b:s4+s3], $0x80, $0x38;
	[tilespmem:$0x8080] =	vst v63  }
0x11: {  	_ =	swait.ge [sflag:s7], $0x80  }
0x12: {  	[sflag:s7] =	ssyncset.done $0x0  }
0x13: {  	[sflag:s7] =	ssyncadd.s32 $0xFFFFFF80  }
0x14: {  	v3 =	vld [tilespmem:$0x0];
	_ =	sdelay $0x4  }
0x15: {  	v4 =	vshll.u32 v3, $0x1  }
0x16: {  	v3 =	vand.u32 $0x7, v3;
	v4 =	vand.u32 $0xFFFFFFF0, v4  }
0x17: {  	v3 =	vor.u32 v3, v4  }
0x18: {  	v4 =	vperm.xlane v3, v0;
	_ =	sdelay $0x1  }
0x19: {  	v3 =	vperm.xlane v3, v2;
	v4 =	vadd.s32 v1, v4;
	_ =	sdelay $0x1  }
0x1a: {  	v3 =	vadd.s32 v1, v3;
	_ =	sdelay $0x2  }
0x1b: {  	[tilespmem:s8], [sflag:$0x1] =	stream.indirect_vreg.gather [hbm4b:s1+s3], $0x80, v4, vm0, $0xb8;
	[tilespmem:$0x8080] =	vst v63  }
0x1c: {  	_ = 	snop  }
0x1d: {  	[tilespmem:s9], [sflag:$0x1] =	stream.indirect_vreg.gather [hbm4b:s1+s3], $0x80, v3, vm0, $0xb8;
	[tilespmem:$0x8080] =	vst v63  }
0x1e: {  	v3 =	vld [tilespmem:$0x10];
	_ =	sdelay $0x4  }
0x1f: {  	v57 =	vshll.u32 v3, $0x1  }
0x20: {  	v3 =	vand.u32 $0x7, v3;
	v4 =	vand.u32 $0xFFFFFFF0, v57  }
0x21: {  	v3 =	vor.u32 v3, v4  }
0x22: {  	v4 =	vperm.xlane v3, v0;
	_ =	sdelay $0x1  }
0x23: {  	v3 =	vperm.xlane v3, v2;
	v4 =	vadd.s32 v1, v4;
	_ =	sdelay $0x1  }
0x24: {  	v3 =	vadd.s32 v1, v3;
	_ =	sdelay $0x2  }
0x25: {  	[tilespmem:s10], [sflag:$0x1] =	stream.indirect_vreg.gather [hbm4b:s1+s3], $0x80, v4, vm0, $0xb8;
	[tilespmem:$0x8080] =	vst v63  }
0x26: {  	_ = 	snop  }
0x27: {  	[tilespmem:s11], [sflag:$0x1] =	stream.indirect_vreg.gather [hbm4b:s1+s3], $0x80, v3, vm0, $0xb8;
	[tilespmem:$0x8080] =	vst v63  }
0x28: {  	v3 =	vld [tilespmem:$0x20];
	_ =	sdelay $0x4  }
0x29: {  	v58 =	vshll.u32 v3, $0x1  }
0x2a: {  	v3 =	vand.u32 $0x7, v3;
	v4 =	vand.u32 $0xFFFFFFF0, v58  }
0x2b: {  	v3 =	vor.u32 v3, v4  }
0x2c: {  	v4 =	vperm.xlane v3, v0;
	_ =	sdelay $0x1  }
0x2d: {  	v3 =	vperm.xlane v3, v2;
	v4 =	vadd.s32 v1, v4;
	_ =	sdelay $0x1  }
0x2e: {  	v3 =	vadd.s32 v1, v3;
	_ =	sdelay $0x2  }
0x2f: {  	[tilespmem:s12], [sflag:$0x1] =	stream.indirect_vreg.gather [hbm4b:s1+s3], $0x80, v4, vm0, $0xb8;
	[tilespmem:$0x8080] =	vst v63  }
0x30: {  	_ = 	snop  }
0x31: {  	[tilespmem:s13], [sflag:$0x1] =	stream.indirect_vreg.gather [hbm4b:s1+s3], $0x80, v3, vm0, $0xb8;
	[tilespmem:$0x8080] =	vst v63  }
0x32: {  	v3 =	vld [tilespmem:$0x30];
	_ =	sdelay $0x4  }
0x33: {  	v59 =	vshll.u32 v3, $0x1  }
0x34: {  	v3 =	vand.u32 $0x7, v3;
	v4 =	vand.u32 $0xFFFFFFF0, v59  }
0x35: {  	v3 =	vor.u32 v3, v4  }
0x36: {  	v4 =	vperm.xlane v3, v0;
	_ =	sdelay $0x1  }
0x37: {  	v3 =	vperm.xlane v3, v2;
	v4 =	vadd.s32 v1, v4;
	_ =	sdelay $0x1  }
0x38: {  	v3 =	vadd.s32 v1, v3;
	_ =	sdelay $0x2  }
0x39: {  	[tilespmem:s14], [sflag:$0x1] =	stream.indirect_vreg.gather [hbm4b:s1+s3], $0x80, v4, vm0, $0xb8;
	[tilespmem:$0x8080] =	vst v63  }
0x3a: {  	_ = 	snop  }
0x3b: {  	[tilespmem:s15], [sflag:$0x1] =	stream.indirect_vreg.gather [hbm4b:s1+s3], $0x80, v3, vm0, $0xb8;
	[tilespmem:$0x8080] =	vst v63  }
0x3c: {  	v3 =	vld [tilespmem:$0x40];
	_ =	sdelay $0x4  }
0x3d: {  	v60 =	vshll.u32 v3, $0x1  }
0x3e: {  	v3 =	vand.u32 $0x7, v3;
	v4 =	vand.u32 $0xFFFFFFF0, v60  }
0x3f: {  	v3 =	vor.u32 v3, v4  }
0x40: {  	v4 =	vperm.xlane v3, v0;
	_ =	sdelay $0x1  }
0x41: {  	v3 =	vperm.xlane v3, v2;
	v4 =	vadd.s32 v1, v4;
	_ =	sdelay $0x1  }
0x42: {  	v3 =	vadd.s32 v1, v3;
	_ =	sdelay $0x2  }
0x43: {  	[tilespmem:s16], [sflag:$0x1] =	stream.indirect_vreg.gather [hbm4b:s1+s3], $0x80, v4, vm0, $0xb8;
	[tilespmem:$0x8080] =	vst v63  }
0x44: {  	_ = 	snop  }
0x45: {  	[tilespmem:s17], [sflag:$0x1] =	stream.indirect_vreg.gather [hbm4b:s1+s3], $0x80, v3, vm0, $0xb8;
	[tilespmem:$0x8080] =	vst v63  }
0x46: {  	v3 =	vld [tilespmem:$0x50];
	_ =	sdelay $0x4  }
0x47: {  	v61 =	vshll.u32 v3, $0x1  }
0x48: {  	v3 =	vand.u32 $0x7, v3;
	v4 =	vand.u32 $0xFFFFFFF0, v61  }
0x49: {  	v3 =	vor.u32 v3, v4  }
0x4a: {  	v4 =	vperm.xlane v3, v0;
	_ =	sdelay $0x1  }
0x4b: {  	v3 =	vperm.xlane v3, v2;
	v4 =	vadd.s32 v1, v4;
	_ =	sdelay $0x1  }
0x4c: {  	v3 =	vadd.s32 v1, v3;
	_ =	sdelay $0x2  }
0x4d: {  	[tilespmem:s18], [sflag:$0x1] =	stream.indirect_vreg.gather [hbm4b:s1+s3], $0x80, v4, vm0, $0xb8;
	[tilespmem:$0x8080] =	vst v63  }
0x4e: {  	_ = 	snop  }
0x4f: {  	[tilespmem:s19], [sflag:$0x1] =	stream.indirect_vreg.gather [hbm4b:s1+s3], $0x80, v3, vm0, $0xb8;
	[tilespmem:$0x8080] =	vst v63  }
0x50: {  	v3 =	vld [tilespmem:$0x60];
	_ =	sdelay $0x4  }
0x51: {  	v62 =	vshll.u32 v3, $0x1  }
0x52: {  	v3 =	vand.u32 $0x7, v3;
	v4 =	vand.u32 $0xFFFFFFF0, v62  }
0x53: {  	v3 =	vor.u32 v3, v4  }
0x54: {  	v4 =	vperm.xlane v3, v0;
	_ =	sdelay $0x1  }
0x55: {  	v3 =	vperm.xlane v3, v2;
	v4 =	vadd.s32 v1, v4;
	_ =	sdelay $0x1  }
0x56: {  	v3 =	vadd.s32 v1, v3;
	_ =	sdelay $0x2  }
0x57: {  	[tilespmem:s20], [sflag:$0x1] =	stream.indirect_vreg.gather [hbm4b:s1+s3], $0x80, v4, vm0, $0xb8;
	[tilespmem:$0x8080] =	vst v63  }
0x58: {  	_ = 	snop  }
0x59: {  	[tilespmem:s21], [sflag:$0x1] =	stream.indirect_vreg.gather [hbm4b:s1+s3], $0x80, v3, vm0, $0xb8;
	[tilespmem:$0x8080] =	vst v63  }
0x5a: {  	v3 =	vld [tilespmem:$0x70];
	_ =	sdelay $0x4  }
0x5b: {  	v63 =	vshll.u32 v3, $0x1  }
0x5c: {  	v3 =	vand.u32 $0x7, v3;
	v4 =	vand.u32 $0xFFFFFFF0, v63  }
0x5d: {  	v3 =	vor.u32 v3, v4  }
0x5e: {  	v4 =	vperm.xlane v3, v0;
	_ =	sdelay $0x1  }
0x5f: {  	v3 =	vperm.xlane v3, v2;
	v4 =	vadd.s32 v1, v4;
	_ =	sdelay $0x1  }
0x60: {  	v3 =	vadd.s32 v1, v3;
	_ =	sdelay $0x2  }
0x61: {  	[tilespmem:s22], [sflag:$0x1] =	stream.indirect_vreg.gather [hbm4b:s1+s3], $0x80, v4, vm0, $0xb8;
	[tilespmem:$0x8080] =	vst v63  }
0x62: {  	_ = 	snop  }
0x63: {  	[tilespmem:s23], [sflag:$0x1] =	stream.indirect_vreg.gather [hbm4b:s1+s3], $0x80, v3, vm0, $0xb8;
	[tilespmem:$0x8080] =	vst v63  }
0x64: {  	_ =	swait.ge [sflag:s24], $0x8000  }
0x65: {  	p0 =	sne.s32 s6, $0x1;
	[sflag:s24] =	ssyncset.done $0x0  }
.Ltmp0:
0x66: {  	[sflag:s24] =	ssyncadd.s32 $0xFFFF8000;
	(pc) =	sbr.rel @p0 .LBB2_1-.Ltmp0, $4  }
0x67: {  	[hbm4b:s5+s3] =	stream.linear.scatter [tilespmem:s8], [sflag:$0x2], $0x8000, $0x38;
	[tilespmem:$0x8080] =	vst v63  }
0x68: {  	_ =	swait.ge [sflag:s7], $0x8000  }
0x69: {  	[sflag:s7] =	ssyncset.done $0x0  }
0x6a: {  	s6 =	sadd.s32 $0xFFFFFFFF, s6;
	[sflag:s7] =	ssyncadd.s32 $0xFFFF8000  }
0x6b: {  	_ =	sfence.sel $0x180000  }
0x6c: {  	[bflag:$0x0] =	sbarrier.arrive $0xFFFF  }
0x6d: {  	p0 =	sne.s32 s2, $0x0;
	_ =	strace $0x90000047  }
0x6e: {  	s0 =	sadd.s32 @!p0 $0x100000, s0;
	[bflag:$0x2] =	sbarrier.arrive $0xFFFF  }
0x6f: {  	[sflag:s0] =	ssyncadd.tile.s32 @!p0 $0x1;
	_ =	shalt  }
.Lfunc_end2:
_tile_overlayer_lowered:
.L_overlay_start_2:
0x70: {  	(tag) =	ssettag $0x2  }
0x71: {  	s0 =	rddreg [dreg:$0x0];
	s2 =	stileid.u32  }
0x72: {  	s1 =	rddreg [dreg:$0x1];
	p0 =	sne.s32 s2, $0x0  }
0x73: {  	s3 =	rddreg [dreg:$0x2];
	[bflag:$0x3] =	sbarrier.arrive $0xFFFF;
	s2 =	simm.s32 @!p0 $0x1C02  }
0x74: {  	[timem:s3], [sflag:s2] =	dma.local @!p0 [hbm:s0], s1  }
0x75: {  	s0 =	simm.s32 @!p0 $0x2  }
0x76: {  	_ =	swait.ge @!p0 [sflag:s0], s1  }
0x77: {  	s1 =	ssub.s32 @!p0 $0x0, s1;
	[sflag:s0] =	ssyncset.done @!p0 $0x0  }
0x78: {  	[sflag:s0] =	ssyncadd.s32 @!p0 s1  }
0x79: {  	[bflag:$0x3] =	sbarrier.arrive $0xFFFF  }
0x7a: {  	_ =	shalt  }

// kernel: kernel.15.cloned.1.call-start
scs
__scs_entry_jumppad:
0x0: {  	(pc) =	sbr.rel $0x88, $3  }
0x1: {  	(tag) =	ssettag $0x0;
	lr =	simm.s32 $0x1  }
0x2: {  	[smem:$0x3F98] =	sst lr;
	_ =	strace $0xD0000000  }
0x3: {  	_ = 	snop  }
0x4: {  	_ = 	snop  }
0x5: {  	_ = 	snop  }
0x6: {  	_ = 	snop  }
0x7: {  	_ = 	snop  }
__scs_overlays_trampoline_lowered:
0x8: {  	[smem:$0x3FA7] =	sst s0  }
0x9: {  	[smem:$0x3FA8] =	sst s1  }
0xa: {  	[smem:$0x3FA9] =	sst s2  }
0xb: {  	[smem:$0x3FAA] =	sst s3  }
0xc: {  	[smem:$0x3FAB] =	sst s4  }
0xd: {  	[smem:$0x3FAC] =	sst s5  }
0xe: {  	[smem:$0x3FAD] =	sst s6  }
0xf: {  	[smem:$0x3FAE] =	sst s7  }
0x10: {  	[smem:$0x3FAF] =	sst s8  }
0x11: {  	[smem:$0x3FB0] =	sst s9;
	s0 =	simm.s32 @!p0 $0x0  }
0x12: {  	s1 =	sld [smem:$0x3F96];
	s0 =	simm.s32 @p0 $0x1  }
0x13: {  	[smem:$0x3FB1] =	sst s0;
	s0 =	simm.s32 @!p1 $0x0  }
0x14: {  	s2 =	sld [smem:$0x3F95];
	s0 =	simm.s32 @p1 $0x1  }
0x15: {  	[smem:$0x3FB2] =	sst s0;
	s0 =	simm.s32 @!p2 $0x0  }
0x16: {  	s3 =	sld [smem:$0x3FDB];
	s0 =	simm.s32 @p2 $0x1  }
0x17: {  	s4 =	simm.s32 $0x1BF5;
	[smem:$0x3FB4] =	sst s0  }
0x18: {  	s0 =	sld [smem:$0x3F97];
	_ =	swait.ge [sflag:s4], $0x0  }
0x19: {  	s7 =	sld [smem:$0x3F98]  }
0x1a: {  	s8 =	sadd.s32 $0xFFFFE003, lr  }
0x1b: {  	s9 =	sadd.s32 $0xFFFFFEF7, lr;
	s5 =	simm.s32 $0xFFFFFFFF;
	p2 =	slt.u32 s8, $0xFFFFF086  }
0x1c: {  	p1 =	slt.u32 s9, $0xF7A;
	s5 =	simm.s32 @!p2 $0x0  }
0x1d: {  	s5 =	simm.s32 @p1 $0x1;
	p0 =	seq.s32 s7, s2  }
0x1e: {  	s7 =	smul.u32 @!p0 $0xF7A, s2;
	p2 =	seq.s32 @!p0 s5, $0x0  }
0x1f: {  	s9 =	smul.u32 $0xF7A, s1;
	s8 =	simm.s32 @!p0 $0x1BF5;
	p2 =	por !p2, p0  }
0x20: {  	[sflag:s8] =	ssyncset.s32 @!p0 $0xFFFFF086;
	s6 =	sadd.s32 @!p0 s3, s7;
	s7 =	simm.s32 @!p0 $0x108  }
0x21: {  	s3 =	sadd.s32 s3, s9;
	s6 =	sadd.s32 @!p0 $0x88, s6;
	s7 =	simm.s32 @p2 $0x1082  }
0x22: {  	[simem:s7], [sflag:s8] =	dma.local @!p0 [hbm:s6], $0xF7A  }
0x23: {  	s9 =	sor.u32 $0xD0000000, s2;
	s6 =	simm.s32 $0x108;
	_ =	swait.ge @!p0 [sflag:s8], $0x0  }
0x24: {  	s3 =	sadd.s32 $0x88, s3;
	s6 =	simm.s32 @!p1 $0x1082;
	[sflag:s4] =	ssyncset.s32 $0xFFFFF086  }
0x25: {  	[simem:s6], [sflag:s4] =	dma.local [hbm:s3], $0xF7A  }
0x26: {  	[smem:$0x3F98] =	sst s1;
	(tag) =	ssettag s2;
	_ =	strace s9  }
0x27: {  	s1 =	sld [smem:$0x3FA8]  }
0x28: {  	s2 =	sld [smem:$0x3FA9]  }
0x29: {  	s4 =	sld [smem:$0x3FAB]  }
0x2a: {  	p0 =	seq.s32 s5, $0x0;
	s5 =	sld [smem:$0x3FAC]  }
0x2b: {  	s6 =	sld [smem:$0x3FAD]  }
0x2c: {  	s7 =	sld [smem:$0x3FAE]  }
0x2d: {  	s3 =	simm.s32 $0x108;
	s8 =	sld [smem:$0x3FAF]  }
0x2e: {  	s3 =	simm.s32 @!p0 $0x1082;
	s9 =	sld [smem:$0x3FB0]  }
0x2f: {  	lr =	sadd.s32 s0, s3;
	s0 =	sld [smem:$0x3FA7]  }
0x30: {  	s3 =	sld [smem:$0x3FAA]  }
0x31: {  	[smem:$0x3FB3] =	sst s10  }
0x32: {  	s10 =	sld [smem:$0x3FB1];
	_ =	sdelay $0x3  }
0x33: {  	p0 =	seq.s32 s10, $0x1;
	s10 =	sld [smem:$0x3FB3];
	_ =	sdelay $0x3  }
0x34: {  	[smem:$0x3FB3] =	sst s10  }
0x35: {  	s10 =	sld [smem:$0x3FB2];
	_ =	sdelay $0x3  }
0x36: {  	p1 =	seq.s32 s10, $0x1;
	s10 =	sld [smem:$0x3FB3];
	_ =	sdelay $0x3  }
0x37: {  	[smem:$0x3FB3] =	sst s10  }
0x38: {  	s10 =	sld [smem:$0x3FB4]  }
0x39: {  	_ = 	snop;
	(pc) =	sbr.ind lr, $3  }
0x3a: {  	_ = 	snop  }
0x3b: {  	_ = 	snop  }
0x3c: {  	p2 =	seq.s32 s10, $0x1;
	s10 =	sld [smem:$0x3FB3]  }
0x3d: {  	_ =	shalt  }
0x3e: {  	_ =	shalt  }
0x3f: {  	_ =	shalt  }
0x40: {  	_ =	shalt  }
0x41: {  	_ =	shalt  }
0x42: {  	_ =	shalt  }
0x43: {  	_ =	shalt  }
0x44: {  	_ =	shalt  }
0x45: {  	_ =	shalt  }
0x46: {  	_ =	shalt  }
0x47: {  	_ =	shalt  }
0x48: {  	_ =	shalt  }
0x49: {  	_ =	shalt  }
0x4a: {  	_ =	shalt  }
0x4b: {  	_ =	shalt  }
0x4c: {  	_ =	shalt  }
0x4d: {  	_ =	shalt  }
0x4e: {  	_ =	shalt  }
0x4f: {  	_ =	shalt  }
0x50: {  	_ =	shalt  }
0x51: {  	_ =	shalt  }
0x52: {  	_ =	shalt  }
0x53: {  	_ =	shalt  }
0x54: {  	_ =	shalt  }
0x55: {  	_ =	shalt  }
0x56: {  	_ =	shalt  }
0x57: {  	_ =	shalt  }
0x58: {  	_ =	shalt  }
0x59: {  	_ =	shalt  }
0x5a: {  	_ =	shalt  }
0x5b: {  	_ =	shalt  }
0x5c: {  	_ =	shalt  }
0x5d: {  	_ =	shalt  }
0x5e: {  	_ =	shalt  }
0x5f: {  	_ =	shalt  }
0x60: {  	_ =	shalt  }
0x61: {  	_ =	shalt  }
0x62: {  	_ =	shalt  }
0x63: {  	_ =	shalt  }
0x64: {  	_ =	shalt  }
0x65: {  	_ =	shalt  }
0x66: {  	_ =	shalt  }
0x67: {  	_ =	shalt  }
0x68: {  	_ =	shalt  }
0x69: {  	_ =	shalt  }
0x6a: {  	_ =	shalt  }
0x6b: {  	_ =	shalt  }
0x6c: {  	_ =	shalt  }
0x6d: {  	_ =	shalt  }
0x6e: {  	_ =	shalt  }
0x6f: {  	_ =	shalt  }
0x70: {  	_ =	shalt  }
0x71: {  	_ =	shalt  }
0x72: {  	_ =	shalt  }
0x73: {  	_ =	shalt  }
0x74: {  	_ =	shalt  }
0x75: {  	_ =	shalt  }
0x76: {  	_ =	shalt  }
0x77: {  	_ =	shalt  }
0x78: {  	_ =	shalt  }
0x79: {  	_ =	shalt  }
0x7a: {  	_ =	shalt  }
0x7b: {  	_ =	shalt  }
0x7c: {  	_ =	shalt  }
0x7d: {  	_ =	shalt  }
0x7e: {  	_ =	shalt  }
0x7f: {  	_ =	shalt  }
0x80: {  	_ =	shalt  }
0x81: {  	_ =	shalt  }
0x82: {  	_ =	shalt  }
0x83: {  	_ =	shalt  }
0x84: {  	_ =	shalt  }
0x85: {  	_ =	shalt  }
0x86: {  	_ =	shalt  }
0x87: {  	_ =	shalt  }
.Lfunc_end0:
.L_simem_size_0:
called_computation.1_lowered:
.L_overlay_start_0:
0x88: {  	s2 =	sld [smem:$0x3FD9]  }
0x89: {  	s3 =	sld [smem:$0x3FFE];
	_ =	sdelay $0x1  }
0x8a: {  	s1 =	srdreg.scid  }
0x8b: {  	s0 =	sand.u32 $0x1, s1  }
0x8c: {  	s15 =	sshll.u32 s0, $0xA;
	s2 =	sadd.s32 s3, s2  }
0x8d: {  	s2 =	sadd.s32 s2, s15  }
0x8e: {  	[smem:$0x3FBF] =	sst s2  }
0x8f: {  	_ = 	snop  }
0x90: {  	s2 =	sld [smem:$0x3FD0];
	_ =	sdelay $0x2  }
0x91: {  	s4 =	simm.s32 $0xA;
	s5 =	simm.s32 $0x10;
	s16 =	sld [smem:$0x3FC5]  }
0x92: {  	[smem:s5], [sflag:s4] =	dma.local [hbm:s2], $0x1  }
0x93: {  	_ =	swait.eq [sflag:s4], $0x1  }
0x94: {  	[sflag:s4] =	ssyncset.done $0x0  }
0x95: {  	[sflag:s4] =	ssyncadd.s32 $0xFFFFFFFF  }
0x96: {  	s2 =	sadd.s32 $0x1, s2;
	s6 =	sld [smem:$0x16]  }
0x97: {  	[smem:s5], [sflag:s4] =	dma.local [hbm:s2], $0x1  }
0x98: {  	_ =	swait.eq [sflag:s4], $0x1  }
0x99: {  	[sflag:s4] =	ssyncset.done $0x0  }
0x9a: {  	[sflag:s4] =	ssyncadd.s32 $0xFFFFFFFF  }
0x9b: {  	s17 =	sld [smem:$0x12];
	(tm) =	ssettm $0x1  }
0x9c: {  	s18 =	sld [smem:$0x3FFB];
	_ =	sdelay $0x3  }
0x9d: {  	_ =	strace s18  }
0x9e: {  	s4 =	sld [smem:$0x3FFC];
	_ =	sdelay $0x3  }
0x9f: {  	_ =	strace s4  }
0xa0: {  	s4 =	sld [smem:$0x3FFD];
	_ =	sdelay $0x3  }
0xa1: {  	_ =	strace s4  }
0xa2: {  	_ =	strace $0x8FFFFFFF  }
0xa3: {  	s19 =	sld [smem:$0x3FDB];
	_ =	sdelay $0x1  }
0xa4: {  	s20 =	simm.s32 $_scs_section_size  }
0xa5: {  	s7 =	simm.s32 $_size__tile_overlayer_lowered;
	s8 =	simm.s32 $_tile_overlayer_lowered  }
0xa6: {  	s23 =	simm.s32 $0x1BFF;
	s22 =	sshll.u32 s8, $0x1;
	s4 =	sadd.s32 s20, s19  }
0xa7: {  	s9 =	simm.s32 $0x0;
	s21 =	sshll.u32 s7, $0x1;
	s7 =	sadd.s32 s22, s4  }
0xa8: {  	[timem:s9], [sflag:s23] =	dma.local [hbm:s7], s21  }
0xa9: {  	_ =	swait.ge [sflag:s23], s21  }
0xaa: {  	s5 =	ssub.s32 $0x0, s21;
	[sflag:s23] =	ssyncset.done $0x0  }
0xab: {  	[sflag:s23] =	ssyncadd.s32 s5;
	_ =	sdelay $0x1  }
0xac: {  	s24 =	simm.s32 $0x1B8B  }
0xad: {  	_ =	swait.ge [sflag:s24], $0x1  }
0xae: {  	[sflag:s24] =	ssyncset.done $0x0  }
0xaf: {  	s25 =	simm.s32 $0x1B8E;
	[sflag:s24] =	ssyncadd.s32 $0xFFFFFFFF  }
0xb0: {  	s26 =	simm.s32 $execute0_lowered;
	[smem:$0x3FD2] =	sst s25  }
0xb1: {  	s5 =	sshll.u32 s26, $0x1;
	_ =	strace $0x80000049;
	[dreg:$0x1] =	wrdreg $0xFFFFFFFF  }
0xb2: {  	s28 =	simm.s32 $_size_execute0_lowered;
	s4 =	sadd.s32 s4, s5;
	[dreg:$0x0] =	wrdreg $0x0  }
0xb3: {  	s5 =	sshll.u32 s28, $0x1;
	[dreg:$0x2] =	wrdreg s4  }
0xb4: {  	[dreg:$0x3] =	wrdreg s5  }
0xb5: {  	[dreg:$0x4] =	wrdreg $0xC0  }
0xb6: {  	_ =	task [dreg:s9], $0x5FFFF  }
0xb7: {  	[dreg:$0x1] =	wrdreg $0xFFFFFFFF  }
0xb8: {  	[dreg:$0x0] =	wrdreg $0x60  }
0xb9: {  	[dreg:$0x2] =	wrdreg s16  }
0xba: {  	[dreg:$0x3] =	wrdreg s17  }
0xbb: {  	[dreg:$0x4] =	wrdreg s6  }
0xbc: {  	[dreg:$0x5] =	wrdreg $0x9  }
0xbd: {  	_ =	task.clear_ibuf [dreg:s9], $0x6FFFF;
	_ =	strace $0x90000049  }
0xbe: {  	s29 =	simm.s32 $0x9;
	_ =	strace $0x8000004B  }
0xbf: {  	_ =	swait.ge [sflag:s29], $0x1  }
0xc0: {  	[sflag:s29] =	ssyncadd.s32 $0xFFFFFFFF  }
0xc1: {  	_ =	strace $0x9000004B  }
0xc2: {  	_ =	sfence  }
0xc3: {  	s30 =	sld [smem:$0x0];
	_ =	sdelay $0x2  }
0xc4: {  	s31 =	sshll.u32 s1, $0xD;
	s1 =	sshrl.u32 s1, $0x2  }
0xc5: {  	s3 =	sand.u32 $0x4000, s31;
	s1 =	sadd.s32 s1, s30  }
0xc6: {  	s0 =	sor.u32 s3, s0;
	s1 =	sshll.u32 s1, $0x11  }
0xc7: {  	s0 =	sor.u32 s1, s0  }
0xc8: {  	s0 =	sadd.s32 $0x8F2B, s0  }
0xc9: {  	[sflag:s0] =	ssyncadd.remote.s32 $0x1  }
0xca: {  	_ =	sfence.sel $0xFFFF  }
0xcb: {  	[dreg:$0x0] =	wrdreg $0xFFFFFFFF;
	(pc) =	sbr.abs _section_cstart, $3  }
0xcc: {  	[dreg:$0x1] =	wrdreg $0xFFFFFFFF  }
0xcd: {  	_ =	task.clear_ibuf [dreg:s9], $0x2FFFF;
	_ =	strace $0x9FFFFFFF  }
0xce: {  	(tm) =	ssettm $0x7FFFFFFF  }
0xcf: {  	_ =	shalt  }
tec
execute0_lowered:
.L_overlay_start_1:
0x0: {  	(tag) =	ssettag $0x1  }
0x1: {  	s1 =	rddreg [dreg:$0x0]  }
0x2: {  	s4 =	rddreg [dreg:$0x1]  }
0x3: {  	s5 =	rddreg [dreg:$0x2]  }
0x4: {  	s0 =	rddreg [dreg:$0x3];
	s3 =	simm.s32 $0x0;
	s6 =	srdreg.scid  }
0x5: {  	s2 =	stileid.u32;
	s10 =	simm.s32 $0x1080;
	s11 =	simm.s32 $0x1880  }
0x6: {  	s12 =	simm.s32 $0x2080;
	s13 =	simm.s32 $0x2880;
	s14 =	simm.s32 $0x3080  }
0x7: {  	s15 =	simm.s32 $0x3880;
	s16 =	simm.s32 $0x4080;
	s17 =	simm.s32 $0x4880  }
0x8: {  	s18 =	simm.s32 $0x5080;
	s19 =	simm.s32 $0x5880;
	s20 =	simm.s32 $0x6080  }
0x9: {  	s21 =	simm.s32 $0x6880;
	s22 =	simm.s32 $0x7080;
	s23 =	simm.s32 $0x7880  }
0xa: {  	s24 =	simm.s32 $0x1;
	[smem:$0x7FF] =	sst s3;
	s6 =	sand.u32 $0x1, s6  }
0xb: {  	s8 =	sshll.u32 s2, $0x8;
	s7 =	ssub.s32 $0x2, s6;
	s6 =	sshll.u32 s6, $0x7  }
0xc: {  	_ =	strace $0x8000004A;
	s9 =	sshrl.u32 s7, $0x1;
	s6 =	sor.u32 s6, s8  }
0xd: {  	v2 =	vlaneseq.u32;
	s7 =	ssub.s32 s7, s9;
	s8 =	sshrl.u32 s6, $0x3;
	s6 =	sshll.u32 s6, $0x5  }
0xe: {  	vm0 =	vmmov $0xffff;
	v1 =	vshrl.u32 v2, $0x3;
	s9 =	simm.s32 $0x880;
	s4 =	sadd.s32 s4, s8;
	s5 =	sadd.s32 s5, s6  }
0xf: {  	v0 =	vand.u32 $0x7, v2;
	v2 =	vor.u32 $0x8, v2;
	v1 =	vmul.u32 $0x8, v1;
	s6 =	smax.u32 s7, $0x1;
	s7 =	simm.s32 $0x2;
	s8 =	simm.s32 $0x80  }
.LBB2_1:
0x10: {  	[tilespmem:s3], [sflag:$0x2] =	stream.linear.gather [hbm4b:s4+s3], $0x80, $0x38;
	[tilespmem:$0x8080] =	vst v63  }
0x11: {  	_ =	swait.ge [sflag:s7], $0x80  }
0x12: {  	[sflag:s7] =	ssyncset.done $0x0  }
0x13: {  	[sflag:s7] =	ssyncadd.s32 $0xFFFFFF80  }
0x14: {  	v3 =	vld [tilespmem:$0x0];
	_ =	sdelay $0x4  }
0x15: {  	v4 =	vshll.u32 v3, $0x1  }
0x16: {  	v3 =	vand.u32 $0x7, v3;
	v4 =	vand.u32 $0xFFFFFFF0, v4  }
0x17: {  	v3 =	vor.u32 v3, v4  }
0x18: {  	v4 =	vperm.xlane v3, v0;
	_ =	sdelay $0x1  }
0x19: {  	v3 =	vperm.xlane v3, v2;
	v4 =	vadd.s32 v1, v4;
	_ =	sdelay $0x1  }
0x1a: {  	v3 =	vadd.s32 v1, v3;
	_ =	sdelay $0x2  }
0x1b: {  	[tilespmem:s8], [sflag:$0x1] =	stream.indirect_vreg.gather [hbm4b:s1+s3], $0x80, v4, vm0, $0xb8;
	[tilespmem:$0x8080] =	vst v63  }
0x1c: {  	_ = 	snop  }
0x1d: {  	[tilespmem:s9], [sflag:$0x1] =	stream.indirect_vreg.gather [hbm4b:s1+s3], $0x80, v3, vm0, $0xb8;
	[tilespmem:$0x8080] =	vst v63  }
0x1e: {  	v3 =	vld [tilespmem:$0x10];
	_ =	sdelay $0x4  }
0x1f: {  	v57 =	vshll.u32 v3, $0x1  }
0x20: {  	v3 =	vand.u32 $0x7, v3;
	v4 =	vand.u32 $0xFFFFFFF0, v57  }
0x21: {  	v3 =	vor.u32 v3, v4  }
0x22: {  	v4 =	vperm.xlane v3, v0;
	_ =	sdelay $0x1  }
0x23: {  	v3 =	vperm.xlane v3, v2;
	v4 =	vadd.s32 v1, v4;
	_ =	sdelay $0x1  }
0x24: {  	v3 =	vadd.s32 v1, v3;
	_ =	sdelay $0x2  }
0x25: {  	[tilespmem:s10], [sflag:$0x1] =	stream.indirect_vreg.gather [hbm4b:s1+s3], $0x80, v4, vm0, $0xb8;
	[tilespmem:$0x8080] =	vst v63  }
0x26: {  	_ = 	snop  }
0x27: {  	[tilespmem:s11], [sflag:$0x1] =	stream.indirect_vreg.gather [hbm4b:s1+s3], $0x80, v3, vm0, $0xb8;
	[tilespmem:$0x8080] =	vst v63  }
0x28: {  	v3 =	vld [tilespmem:$0x20];
	_ =	sdelay $0x4  }
0x29: {  	v58 =	vshll.u32 v3, $0x1  }
0x2a: {  	v3 =	vand.u32 $0x7, v3;
	v4 =	vand.u32 $0xFFFFFFF0, v58  }
0x2b: {  	v3 =	vor.u32 v3, v4  }
0x2c: {  	v4 =	vperm.xlane v3, v0;
	_ =	sdelay $0x1  }
0x2d: {  	v3 =	vperm.xlane v3, v2;
	v4 =	vadd.s32 v1, v4;
	_ =	sdelay $0x1  }
0x2e: {  	v3 =	vadd.s32 v1, v3;
	_ =	sdelay $0x2  }
0x2f: {  	[tilespmem:s12], [sflag:$0x1] =	stream.indirect_vreg.gather [hbm4b:s1+s3], $0x80, v4, vm0, $0xb8;
	[tilespmem:$0x8080] =	vst v63  }
0x30: {  	_ = 	snop  }
0x31: {  	[tilespmem:s13], [sflag:$0x1] =	stream.indirect_vreg.gather [hbm4b:s1+s3], $0x80, v3, vm0, $0xb8;
	[tilespmem:$0x8080] =	vst v63  }
0x32: {  	v3 =	vld [tilespmem:$0x30];
	_ =	sdelay $0x4  }
0x33: {  	v59 =	vshll.u32 v3, $0x1  }
0x34: {  	v3 =	vand.u32 $0x7, v3;
	v4 =	vand.u32 $0xFFFFFFF0, v59  }
0x35: {  	v3 =	vor.u32 v3, v4  }
0x36: {  	v4 =	vperm.xlane v3, v0;
	_ =	sdelay $0x1  }
0x37: {  	v3 =	vperm.xlane v3, v2;
	v4 =	vadd.s32 v1, v4;
	_ =	sdelay $0x1  }
0x38: {  	v3 =	vadd.s32 v1, v3;
	_ =	sdelay $0x2  }
0x39: {  	[tilespmem:s14], [sflag:$0x1] =	stream.indirect_vreg.gather [hbm4b:s1+s3], $0x80, v4, vm0, $0xb8;
	[tilespmem:$0x8080] =	vst v63  }
0x3a: {  	_ = 	snop  }
0x3b: {  	[tilespmem:s15], [sflag:$0x1] =	stream.indirect_vreg.gather [hbm4b:s1+s3], $0x80, v3, vm0, $0xb8;
	[tilespmem:$0x8080] =	vst v63  }
0x3c: {  	v3 =	vld [tilespmem:$0x40];
	_ =	sdelay $0x4  }
0x3d: {  	v60 =	vshll.u32 v3, $0x1  }
0x3e: {  	v3 =	vand.u32 $0x7, v3;
	v4 =	vand.u32 $0xFFFFFFF0, v60  }
0x3f: {  	v3 =	vor.u32 v3, v4  }
0x40: {  	v4 =	vperm.xlane v3, v0;
	_ =	sdelay $0x1  }
0x41: {  	v3 =	vperm.xlane v3, v2;
	v4 =	vadd.s32 v1, v4;
	_ =	sdelay $0x1  }
0x42: {  	v3 =	vadd.s32 v1, v3;
	_ =	sdelay $0x2  }
0x43: {  	[tilespmem:s16], [sflag:$0x1] =	stream.indirect_vreg.gather [hbm4b:s1+s3], $0x80, v4, vm0, $0xb8;
	[tilespmem:$0x8080] =	vst v63  }
0x44: {  	_ = 	snop  }
0x45: {  	[tilespmem:s17], [sflag:$0x1] =	stream.indirect_vreg.gather [hbm4b:s1+s3], $0x80, v3, vm0, $0xb8;
	[tilespmem:$0x8080] =	vst v63  }
0x46: {  	v3 =	vld [tilespmem:$0x50];
	_ =	sdelay $0x4  }
0x47: {  	v61 =	vshll.u32 v3, $0x1  }
0x48: {  	v3 =	vand.u32 $0x7, v3;
	v4 =	vand.u32 $0xFFFFFFF0, v61  }
0x49: {  	v3 =	vor.u32 v3, v4  }
0x4a: {  	v4 =	vperm.xlane v3, v0;
	_ =	sdelay $0x1  }
0x4b: {  	v3 =	vperm.xlane v3, v2;
	v4 =	vadd.s32 v1, v4;
	_ =	sdelay $0x1  }
0x4c: {  	v3 =	vadd.s32 v1, v3;
	_ =	sdelay $0x2  }
0x4d: {  	[tilespmem:s18], [sflag:$0x1] =	stream.indirect_vreg.gather [hbm4b:s1+s3], $0x80, v4, vm0, $0xb8;
	[tilespmem:$0x8080] =	vst v63  }
0x4e: {  	_ = 	snop  }
0x4f: {  	[tilespmem:s19], [sflag:$0x1] =	stream.indirect_vreg.gather [hbm4b:s1+s3], $0x80, v3, vm0, $0xb8;
	[tilespmem:$0x8080] =	vst v63  }
0x50: {  	v3 =	vld [tilespmem:$0x60];
	_ =	sdelay $0x4  }
0x51: {  	v62 =	vshll.u32 v3, $0x1  }
0x52: {  	v3 =	vand.u32 $0x7, v3;
	v4 =	vand.u32 $0xFFFFFFF0, v62  }
0x53: {  	v3 =	vor.u32 v3, v4  }
0x54: {  	v4 =	vperm.xlane v3, v0;
	_ =	sdelay $0x1  }
0x55: {  	v3 =	vperm.xlane v3, v2;
	v4 =	vadd.s32 v1, v4;
	_ =	sdelay $0x1  }
0x56: {  	v3 =	vadd.s32 v1, v3;
	_ =	sdelay $0x2  }
0x57: {  	[tilespmem:s20], [sflag:$0x1] =	stream.indirect_vreg.gather [hbm4b:s1+s3], $0x80, v4, vm0, $0xb8;
	[tilespmem:$0x8080] =	vst v63  }
0x58: {  	_ = 	snop  }
0x59: {  	[tilespmem:s21], [sflag:$0x1] =	stream.indirect_vreg.gather [hbm4b:s1+s3], $0x80, v3, vm0, $0xb8;
	[tilespmem:$0x8080] =	vst v63  }
0x5a: {  	v3 =	vld [tilespmem:$0x70];
	_ =	sdelay $0x4  }
0x5b: {  	v63 =	vshll.u32 v3, $0x1  }
0x5c: {  	v3 =	vand.u32 $0x7, v3;
	v4 =	vand.u32 $0xFFFFFFF0, v63  }
0x5d: {  	v3 =	vor.u32 v3, v4  }
0x5e: {  	v4 =	vperm.xlane v3, v0;
	_ =	sdelay $0x1  }
0x5f: {  	v3 =	vperm.xlane v3, v2;
	v4 =	vadd.s32 v1, v4;
	_ =	sdelay $0x1  }
0x60: {  	v3 =	vadd.s32 v1, v3;
	_ =	sdelay $0x2  }
0x61: {  	[tilespmem:s22], [sflag:$0x1] =	stream.indirect_vreg.gather [hbm4b:s1+s3], $0x80, v4, vm0, $0xb8;
	[tilespmem:$0x8080] =	vst v63  }
0x62: {  	_ = 	snop  }
0x63: {  	[tilespmem:s23], [sflag:$0x1] =	stream.indirect_vreg.gather [hbm4b:s1+s3], $0x80, v3, vm0, $0xb8;
	[tilespmem:$0x8080] =	vst v63  }
0x64: {  	_ =	swait.ge [sflag:s24], $0x8000  }
0x65: {  	p0 =	sne.s32 s6, $0x1;
	[sflag:s24] =	ssyncset.done $0x0  }
.Ltmp0:
0x66: {  	[sflag:s24] =	ssyncadd.s32 $0xFFFF8000;
	(pc) =	sbr.rel @p0 .LBB2_1-.Ltmp0, $4  }
0x67: {  	[hbm4b:s5+s3] =	stream.linear.scatter [tilespmem:s8], [sflag:$0x2], $0x8000, $0x38;
	[tilespmem:$0x8080] =	vst v63  }
0x68: {  	_ =	swait.ge [sflag:s7], $0x8000  }
0x69: {  	[sflag:s7] =	ssyncset.done $0x0  }
0x6a: {  	s6 =	sadd.s32 $0xFFFFFFFF, s6;
	[sflag:s7] =	ssyncadd.s32 $0xFFFF8000  }
0x6b: {  	_ =	sfence.sel $0x180000  }
0x6c: {  	[bflag:$0x0] =	sbarrier.arrive $0xFFFF  }
0x6d: {  	p0 =	sne.s32 s2, $0x0;
	_ =	strace $0x9000004A  }
0x6e: {  	s0 =	sadd.s32 @!p0 $0x100000, s0;
	[bflag:$0x2] =	sbarrier.arrive $0xFFFF  }
0x6f: {  	[sflag:s0] =	ssyncadd.tile.s32 @!p0 $0x1;
	_ =	shalt  }
.Lfunc_end2:
_tile_overlayer_lowered:
.L_overlay_start_2:
0x70: {  	(tag) =	ssettag $0x2  }
0x71: {  	s0 =	rddreg [dreg:$0x0];
	s2 =	stileid.u32  }
0x72: {  	s1 =	rddreg [dreg:$0x1];
	p0 =	sne.s32 s2, $0x0  }
0x73: {  	s3 =	rddreg [dreg:$0x2];
	[bflag:$0x3] =	sbarrier.arrive $0xFFFF;
	s2 =	simm.s32 @!p0 $0x1C02  }
0x74: {  	[timem:s3], [sflag:s2] =	dma.local @!p0 [hbm:s0], s1  }
0x75: {  	s0 =	simm.s32 @!p0 $0x2  }
0x76: {  	_ =	swait.ge @!p0 [sflag:s0], s1  }
0x77: {  	s1 =	ssub.s32 @!p0 $0x0, s1;
	[sflag:s0] =	ssyncset.done @!p0 $0x0  }
0x78: {  	[sflag:s0] =	ssyncadd.s32 @!p0 s1  }
0x79: {  	[bflag:$0x3] =	sbarrier.arrive $0xFFFF  }
0x7a: {  	_ =	shalt  }

// kernel: kernel.18.cloned.1.call-start
scs
__scs_entry_jumppad:
0x0: {  	(pc) =	sbr.rel $0x88, $3  }
0x1: {  	(tag) =	ssettag $0x0;
	lr =	simm.s32 $0x1  }
0x2: {  	[smem:$0x3F98] =	sst lr;
	_ =	strace $0xD0000000  }
0x3: {  	_ = 	snop  }
0x4: {  	_ = 	snop  }
0x5: {  	_ = 	snop  }
0x6: {  	_ = 	snop  }
0x7: {  	_ = 	snop  }
__scs_overlays_trampoline_lowered:
0x8: {  	[smem:$0x3FA7] =	sst s0  }
0x9: {  	[smem:$0x3FA8] =	sst s1  }
0xa: {  	[smem:$0x3FA9] =	sst s2  }
0xb: {  	[smem:$0x3FAA] =	sst s3  }
0xc: {  	[smem:$0x3FAB] =	sst s4  }
0xd: {  	[smem:$0x3FAC] =	sst s5  }
0xe: {  	[smem:$0x3FAD] =	sst s6  }
0xf: {  	[smem:$0x3FAE] =	sst s7  }
0x10: {  	[smem:$0x3FAF] =	sst s8  }
0x11: {  	[smem:$0x3FB0] =	sst s9;
	s0 =	simm.s32 @!p0 $0x0  }
0x12: {  	s1 =	sld [smem:$0x3F96];
	s0 =	simm.s32 @p0 $0x1  }
0x13: {  	[smem:$0x3FB1] =	sst s0;
	s0 =	simm.s32 @!p1 $0x0  }
0x14: {  	s2 =	sld [smem:$0x3F95];
	s0 =	simm.s32 @p1 $0x1  }
0x15: {  	[smem:$0x3FB2] =	sst s0;
	s0 =	simm.s32 @!p2 $0x0  }
0x16: {  	s3 =	sld [smem:$0x3FDB];
	s0 =	simm.s32 @p2 $0x1  }
0x17: {  	s4 =	simm.s32 $0x1BF5;
	[smem:$0x3FB4] =	sst s0  }
0x18: {  	s0 =	sld [smem:$0x3F97];
	_ =	swait.ge [sflag:s4], $0x0  }
0x19: {  	s7 =	sld [smem:$0x3F98]  }
0x1a: {  	s8 =	sadd.s32 $0xFFFFE003, lr  }
0x1b: {  	s9 =	sadd.s32 $0xFFFFFEF7, lr;
	s5 =	simm.s32 $0xFFFFFFFF;
	p2 =	slt.u32 s8, $0xFFFFF086  }
0x1c: {  	p1 =	slt.u32 s9, $0xF7A;
	s5 =	simm.s32 @!p2 $0x0  }
0x1d: {  	s5 =	simm.s32 @p1 $0x1;
	p0 =	seq.s32 s7, s2  }
0x1e: {  	s7 =	smul.u32 @!p0 $0xF7A, s2;
	p2 =	seq.s32 @!p0 s5, $0x0  }
0x1f: {  	s9 =	smul.u32 $0xF7A, s1;
	s8 =	simm.s32 @!p0 $0x1BF5;
	p2 =	por !p2, p0  }
0x20: {  	[sflag:s8] =	ssyncset.s32 @!p0 $0xFFFFF086;
	s6 =	sadd.s32 @!p0 s3, s7;
	s7 =	simm.s32 @!p0 $0x108  }
0x21: {  	s3 =	sadd.s32 s3, s9;
	s6 =	sadd.s32 @!p0 $0x88, s6;
	s7 =	simm.s32 @p2 $0x1082  }
0x22: {  	[simem:s7], [sflag:s8] =	dma.local @!p0 [hbm:s6], $0xF7A  }
0x23: {  	s9 =	sor.u32 $0xD0000000, s2;
	s6 =	simm.s32 $0x108;
	_ =	swait.ge @!p0 [sflag:s8], $0x0  }
0x24: {  	s3 =	sadd.s32 $0x88, s3;
	s6 =	simm.s32 @!p1 $0x1082;
	[sflag:s4] =	ssyncset.s32 $0xFFFFF086  }
0x25: {  	[simem:s6], [sflag:s4] =	dma.local [hbm:s3], $0xF7A  }
0x26: {  	[smem:$0x3F98] =	sst s1;
	(tag) =	ssettag s2;
	_ =	strace s9  }
0x27: {  	s1 =	sld [smem:$0x3FA8]  }
0x28: {  	s2 =	sld [smem:$0x3FA9]  }
0x29: {  	s4 =	sld [smem:$0x3FAB]  }
0x2a: {  	p0 =	seq.s32 s5, $0x0;
	s5 =	sld [smem:$0x3FAC]  }
0x2b: {  	s6 =	sld [smem:$0x3FAD]  }
0x2c: {  	s7 =	sld [smem:$0x3FAE]  }
0x2d: {  	s3 =	simm.s32 $0x108;
	s8 =	sld [smem:$0x3FAF]  }
0x2e: {  	s3 =	simm.s32 @!p0 $0x1082;
	s9 =	sld [smem:$0x3FB0]  }
0x2f: {  	lr =	sadd.s32 s0, s3;
	s0 =	sld [smem:$0x3FA7]  }
0x30: {  	s3 =	sld [smem:$0x3FAA]  }
0x31: {  	[smem:$0x3FB3] =	sst s10  }
0x32: {  	s10 =	sld [smem:$0x3FB1];
	_ =	sdelay $0x3  }
0x33: {  	p0 =	seq.s32 s10, $0x1;
	s10 =	sld [smem:$0x3FB3];
	_ =	sdelay $0x3  }
0x34: {  	[smem:$0x3FB3] =	sst s10  }
0x35: {  	s10 =	sld [smem:$0x3FB2];
	_ =	sdelay $0x3  }
0x36: {  	p1 =	seq.s32 s10, $0x1;
	s10 =	sld [smem:$0x3FB3];
	_ =	sdelay $0x3  }
0x37: {  	[smem:$0x3FB3] =	sst s10  }
0x38: {  	s10 =	sld [smem:$0x3FB4]  }
0x39: {  	_ = 	snop;
	(pc) =	sbr.ind lr, $3  }
0x3a: {  	_ = 	snop  }
0x3b: {  	_ = 	snop  }
0x3c: {  	p2 =	seq.s32 s10, $0x1;
	s10 =	sld [smem:$0x3FB3]  }
0x3d: {  	_ =	shalt  }
0x3e: {  	_ =	shalt  }
0x3f: {  	_ =	shalt  }
0x40: {  	_ =	shalt  }
0x41: {  	_ =	shalt  }
0x42: {  	_ =	shalt  }
0x43: {  	_ =	shalt  }
0x44: {  	_ =	shalt  }
0x45: {  	_ =	shalt  }
0x46: {  	_ =	shalt  }
0x47: {  	_ =	shalt  }
0x48: {  	_ =	shalt  }
0x49: {  	_ =	shalt  }
0x4a: {  	_ =	shalt  }
0x4b: {  	_ =	shalt  }
0x4c: {  	_ =	shalt  }
0x4d: {  	_ =	shalt  }
0x4e: {  	_ =	shalt  }
0x4f: {  	_ =	shalt  }
0x50: {  	_ =	shalt  }
0x51: {  	_ =	shalt  }
0x52: {  	_ =	shalt  }
0x53: {  	_ =	shalt  }
0x54: {  	_ =	shalt  }
0x55: {  	_ =	shalt  }
0x56: {  	_ =	shalt  }
0x57: {  	_ =	shalt  }
0x58: {  	_ =	shalt  }
0x59: {  	_ =	shalt  }
0x5a: {  	_ =	shalt  }
0x5b: {  	_ =	shalt  }
0x5c: {  	_ =	shalt  }
0x5d: {  	_ =	shalt  }
0x5e: {  	_ =	shalt  }
0x5f: {  	_ =	shalt  }
0x60: {  	_ =	shalt  }
0x61: {  	_ =	shalt  }
0x62: {  	_ =	shalt  }
0x63: {  	_ =	shalt  }
0x64: {  	_ =	shalt  }
0x65: {  	_ =	shalt  }
0x66: {  	_ =	shalt  }
0x67: {  	_ =	shalt  }
0x68: {  	_ =	shalt  }
0x69: {  	_ =	shalt  }
0x6a: {  	_ =	shalt  }
0x6b: {  	_ =	shalt  }
0x6c: {  	_ =	shalt  }
0x6d: {  	_ =	shalt  }
0x6e: {  	_ =	shalt  }
0x6f: {  	_ =	shalt  }
0x70: {  	_ =	shalt  }
0x71: {  	_ =	shalt  }
0x72: {  	_ =	shalt  }
0x73: {  	_ =	shalt  }
0x74: {  	_ =	shalt  }
0x75: {  	_ =	shalt  }
0x76: {  	_ =	shalt  }
0x77: {  	_ =	shalt  }
0x78: {  	_ =	shalt  }
0x79: {  	_ =	shalt  }
0x7a: {  	_ =	shalt  }
0x7b: {  	_ =	shalt  }
0x7c: {  	_ =	shalt  }
0x7d: {  	_ =	shalt  }
0x7e: {  	_ =	shalt  }
0x7f: {  	_ =	shalt  }
0x80: {  	_ =	shalt  }
0x81: {  	_ =	shalt  }
0x82: {  	_ =	shalt  }
0x83: {  	_ =	shalt  }
0x84: {  	_ =	shalt  }
0x85: {  	_ =	shalt  }
0x86: {  	_ =	shalt  }
0x87: {  	_ =	shalt  }
.Lfunc_end0:
.L_simem_size_0:
called_computation.2_lowered:
.L_overlay_start_0:
0x88: {  	s2 =	sld [smem:$0x3FD9]  }
0x89: {  	s3 =	sld [smem:$0x3FFE];
	_ =	sdelay $0x1  }
0x8a: {  	s1 =	srdreg.scid  }
0x8b: {  	s0 =	sand.u32 $0x1, s1  }
0x8c: {  	s15 =	sshll.u32 s0, $0xA;
	s2 =	sadd.s32 s3, s2  }
0x8d: {  	s2 =	sadd.s32 s2, s15  }
0x8e: {  	[smem:$0x3FBF] =	sst s2  }
0x8f: {  	_ = 	snop  }
0x90: {  	s2 =	sld [smem:$0x3FD0];
	_ =	sdelay $0x2  }
0x91: {  	s4 =	simm.s32 $0xA;
	s5 =	simm.s32 $0x10;
	s16 =	sld [smem:$0x3FC4]  }
0x92: {  	[smem:s5], [sflag:s4] =	dma.local [hbm:s2], $0x1  }
0x93: {  	_ =	swait.eq [sflag:s4], $0x1  }
0x94: {  	[sflag:s4] =	ssyncset.done $0x0  }
0x95: {  	[sflag:s4] =	ssyncadd.s32 $0xFFFFFFFF  }
0x96: {  	s2 =	sadd.s32 $0x1, s2;
	s6 =	sld [smem:$0x17]  }
0x97: {  	[smem:s5], [sflag:s4] =	dma.local [hbm:s2], $0x1  }
0x98: {  	_ =	swait.eq [sflag:s4], $0x1  }
0x99: {  	[sflag:s4] =	ssyncset.done $0x0  }
0x9a: {  	[sflag:s4] =	ssyncadd.s32 $0xFFFFFFFF  }
0x9b: {  	s17 =	sld [smem:$0x13];
	(tm) =	ssettm $0x1  }
0x9c: {  	s18 =	sld [smem:$0x3FFB];
	_ =	sdelay $0x3  }
0x9d: {  	_ =	strace s18  }
0x9e: {  	s4 =	sld [smem:$0x3FFC];
	_ =	sdelay $0x3  }
0x9f: {  	_ =	strace s4  }
0xa0: {  	s4 =	sld [smem:$0x3FFD];
	_ =	sdelay $0x3  }
0xa1: {  	_ =	strace s4  }
0xa2: {  	_ =	strace $0x8FFFFFFF  }
0xa3: {  	s19 =	sld [smem:$0x3FDB];
	_ =	sdelay $0x1  }
0xa4: {  	s20 =	simm.s32 $_scs_section_size  }
0xa5: {  	s7 =	simm.s32 $_size__tile_overlayer_lowered;
	s8 =	simm.s32 $_tile_overlayer_lowered  }
0xa6: {  	s23 =	simm.s32 $0x1BFF;
	s22 =	sshll.u32 s8, $0x1;
	s4 =	sadd.s32 s20, s19  }
0xa7: {  	s9 =	simm.s32 $0x0;
	s21 =	sshll.u32 s7, $0x1;
	s7 =	sadd.s32 s22, s4  }
0xa8: {  	[timem:s9], [sflag:s23] =	dma.local [hbm:s7], s21  }
0xa9: {  	_ =	swait.ge [sflag:s23], s21  }
0xaa: {  	s5 =	ssub.s32 $0x0, s21;
	[sflag:s23] =	ssyncset.done $0x0  }
0xab: {  	[sflag:s23] =	ssyncadd.s32 s5;
	_ =	sdelay $0x1  }
0xac: {  	s24 =	simm.s32 $0x1B8B  }
0xad: {  	_ =	swait.ge [sflag:s24], $0x1  }
0xae: {  	[sflag:s24] =	ssyncset.done $0x0  }
0xaf: {  	s25 =	simm.s32 $0x1B8E;
	[sflag:s24] =	ssyncadd.s32 $0xFFFFFFFF  }
0xb0: {  	s26 =	simm.s32 $execute0_lowered;
	[smem:$0x3FD2] =	sst s25  }
0xb1: {  	s5 =	sshll.u32 s26, $0x1;
	_ =	strace $0x8000004C;
	[dreg:$0x1] =	wrdreg $0xFFFFFFFF  }
0xb2: {  	s28 =	simm.s32 $_size_execute0_lowered;
	s4 =	sadd.s32 s4, s5;
	[dreg:$0x0] =	wrdreg $0x0  }
0xb3: {  	s5 =	sshll.u32 s28, $0x1;
	[dreg:$0x2] =	wrdreg s4  }
0xb4: {  	[dreg:$0x3] =	wrdreg s5  }
0xb5: {  	[dreg:$0x4] =	wrdreg $0xC0  }
0xb6: {  	_ =	task [dreg:s9], $0x5FFFF  }
0xb7: {  	[dreg:$0x1] =	wrdreg $0xFFFFFFFF  }
0xb8: {  	[dreg:$0x0] =	wrdreg $0x60  }
0xb9: {  	[dreg:$0x2] =	wrdreg s16  }
0xba: {  	[dreg:$0x3] =	wrdreg s17  }
0xbb: {  	[dreg:$0x4] =	wrdreg s6  }
0xbc: {  	[dreg:$0x5] =	wrdreg $0x9  }
0xbd: {  	_ =	task.clear_ibuf [dreg:s9], $0x6FFFF;
	_ =	strace $0x9000004C  }
0xbe: {  	s29 =	simm.s32 $0x9;
	_ =	strace $0x8000004E  }
0xbf: {  	_ =	swait.ge [sflag:s29], $0x1  }
0xc0: {  	[sflag:s29] =	ssyncadd.s32 $0xFFFFFFFF  }
0xc1: {  	_ =	strace $0x9000004E  }
0xc2: {  	_ =	sfence  }
0xc3: {  	s30 =	sld [smem:$0x0];
	_ =	sdelay $0x2  }
0xc4: {  	s31 =	sshll.u32 s1, $0xD;
	s1 =	sshrl.u32 s1, $0x2  }
0xc5: {  	s3 =	sand.u32 $0x4000, s31;
	s1 =	sadd.s32 s1, s30  }
0xc6: {  	s0 =	sor.u32 s3, s0;
	s1 =	sshll.u32 s1, $0x11  }
0xc7: {  	s0 =	sor.u32 s1, s0  }
0xc8: {  	s0 =	sadd.s32 $0x8F2B, s0  }
0xc9: {  	[sflag:s0] =	ssyncadd.remote.s32 $0x1  }
0xca: {  	_ =	sfence.sel $0xFFFF  }
0xcb: {  	[dreg:$0x0] =	wrdreg $0xFFFFFFFF;
	(pc) =	sbr.abs _section_cstart, $3  }
0xcc: {  	[dreg:$0x1] =	wrdreg $0xFFFFFFFF  }
0xcd: {  	_ =	task.clear_ibuf [dreg:s9], $0x2FFFF;
	_ =	strace $0x9FFFFFFF  }
0xce: {  	(tm) =	ssettm $0x7FFFFFFF  }
0xcf: {  	_ =	shalt  }
tec
execute0_lowered:
.L_overlay_start_1:
0x0: {  	(tag) =	ssettag $0x1  }
0x1: {  	s1 =	rddreg [dreg:$0x0]  }
0x2: {  	s4 =	rddreg [dreg:$0x1]  }
0x3: {  	s5 =	rddreg [dreg:$0x2]  }
0x4: {  	s0 =	rddreg [dreg:$0x3];
	s3 =	simm.s32 $0x0;
	s6 =	srdreg.scid  }
0x5: {  	s2 =	stileid.u32;
	s10 =	simm.s32 $0x1080;
	s11 =	simm.s32 $0x1880  }
0x6: {  	s12 =	simm.s32 $0x2080;
	s13 =	simm.s32 $0x2880;
	s14 =	simm.s32 $0x3080  }
0x7: {  	s15 =	simm.s32 $0x3880;
	s16 =	simm.s32 $0x4080;
	s17 =	simm.s32 $0x4880  }
0x8: {  	s18 =	simm.s32 $0x5080;
	s19 =	simm.s32 $0x5880;
	s20 =	simm.s32 $0x6080  }
0x9: {  	s21 =	simm.s32 $0x6880;
	s22 =	simm.s32 $0x7080;
	s23 =	simm.s32 $0x7880  }
0xa: {  	s24 =	simm.s32 $0x1;
	[smem:$0x7FF] =	sst s3;
	s6 =	sand.u32 $0x1, s6  }
0xb: {  	s8 =	sshll.u32 s2, $0x8;
	s7 =	ssub.s32 $0x2, s6;
	s6 =	sshll.u32 s6, $0x7  }
0xc: {  	_ =	strace $0x8000004D;
	s9 =	sshrl.u32 s7, $0x1;
	s6 =	sor.u32 s6, s8  }
0xd: {  	v2 =	vlaneseq.u32;
	s7 =	ssub.s32 s7, s9;
	s8 =	sshrl.u32 s6, $0x3;
	s6 =	sshll.u32 s6, $0x5  }
0xe: {  	vm0 =	vmmov $0xffff;
	v1 =	vshrl.u32 v2, $0x3;
	s9 =	simm.s32 $0x880;
	s4 =	sadd.s32 s4, s8;
	s5 =	sadd.s32 s5, s6  }
0xf: {  	v0 =	vand.u32 $0x7, v2;
	v2 =	vor.u32 $0x8, v2;
	v1 =	vmul.u32 $0x8, v1;
	s6 =	smax.u32 s7, $0x1;
	s7 =	simm.s32 $0x2;
	s8 =	simm.s32 $0x80  }
.LBB2_1:
0x10: {  	[tilespmem:s3], [sflag:$0x2] =	stream.linear.gather [hbm4b:s4+s3], $0x80, $0x38;
	[tilespmem:$0x8080] =	vst v63  }
0x11: {  	_ =	swait.ge [sflag:s7], $0x80  }
0x12: {  	[sflag:s7] =	ssyncset.done $0x0  }
0x13: {  	[sflag:s7] =	ssyncadd.s32 $0xFFFFFF80  }
0x14: {  	v3 =	vld [tilespmem:$0x0];
	_ =	sdelay $0x4  }
0x15: {  	v4 =	vshll.u32 v3, $0x1  }
0x16: {  	v3 =	vand.u32 $0x7, v3;
	v4 =	vand.u32 $0xFFFFFFF0, v4  }
0x17: {  	v3 =	vor.u32 v3, v4  }
0x18: {  	v4 =	vperm.xlane v3, v0;
	_ =	sdelay $0x1  }
0x19: {  	v3 =	vperm.xlane v3, v2;
	v4 =	vadd.s32 v1, v4;
	_ =	sdelay $0x1  }
0x1a: {  	v3 =	vadd.s32 v1, v3;
	_ =	sdelay $0x2  }
0x1b: {  	[tilespmem:s8], [sflag:$0x1] =	stream.indirect_vreg.gather [hbm4b:s1+s3], $0x80, v4, vm0, $0xb8;
	[tilespmem:$0x8080] =	vst v63  }
0x1c: {  	_ = 	snop  }
0x1d: {  	[tilespmem:s9], [sflag:$0x1] =	stream.indirect_vreg.gather [hbm4b:s1+s3], $0x80, v3, vm0, $0xb8;
	[tilespmem:$0x8080] =	vst v63  }
0x1e: {  	v3 =	vld [tilespmem:$0x10];
	_ =	sdelay $0x4  }
0x1f: {  	v57 =	vshll.u32 v3, $0x1  }
0x20: {  	v3 =	vand.u32 $0x7, v3;
	v4 =	vand.u32 $0xFFFFFFF0, v57  }
0x21: {  	v3 =	vor.u32 v3, v4  }
0x22: {  	v4 =	vperm.xlane v3, v0;
	_ =	sdelay $0x1  }
0x23: {  	v3 =	vperm.xlane v3, v2;
	v4 =	vadd.s32 v1, v4;
	_ =	sdelay $0x1  }
0x24: {  	v3 =	vadd.s32 v1, v3;
	_ =	sdelay $0x2  }
0x25: {  	[tilespmem:s10], [sflag:$0x1] =	stream.indirect_vreg.gather [hbm4b:s1+s3], $0x80, v4, vm0, $0xb8;
	[tilespmem:$0x8080] =	vst v63  }
0x26: {  	_ = 	snop  }
0x27: {  	[tilespmem:s11], [sflag:$0x1] =	stream.indirect_vreg.gather [hbm4b:s1+s3], $0x80, v3, vm0, $0xb8;
	[tilespmem:$0x8080] =	vst v63  }
0x28: {  	v3 =	vld [tilespmem:$0x20];
	_ =	sdelay $0x4  }
0x29: {  	v58 =	vshll.u32 v3, $0x1  }
0x2a: {  	v3 =	vand.u32 $0x7, v3;
	v4 =	vand.u32 $0xFFFFFFF0, v58  }
0x2b: {  	v3 =	vor.u32 v3, v4  }
0x2c: {  	v4 =	vperm.xlane v3, v0;
	_ =	sdelay $0x1  }
0x2d: {  	v3 =	vperm.xlane v3, v2;
	v4 =	vadd.s32 v1, v4;
	_ =	sdelay $0x1  }
0x2e: {  	v3 =	vadd.s32 v1, v3;
	_ =	sdelay $0x2  }
0x2f: {  	[tilespmem:s12], [sflag:$0x1] =	stream.indirect_vreg.gather [hbm4b:s1+s3], $0x80, v4, vm0, $0xb8;
	[tilespmem:$0x8080] =	vst v63  }
0x30: {  	_ = 	snop  }
0x31: {  	[tilespmem:s13], [sflag:$0x1] =	stream.indirect_vreg.gather [hbm4b:s1+s3], $0x80, v3, vm0, $0xb8;
	[tilespmem:$0x8080] =	vst v63  }
0x32: {  	v3 =	vld [tilespmem:$0x30];
	_ =	sdelay $0x4  }
0x33: {  	v59 =	vshll.u32 v3, $0x1  }
0x34: {  	v3 =	vand.u32 $0x7, v3;
	v4 =	vand.u32 $0xFFFFFFF0, v59  }
0x35: {  	v3 =	vor.u32 v3, v4  }
0x36: {  	v4 =	vperm.xlane v3, v0;
	_ =	sdelay $0x1  }
0x37: {  	v3 =	vperm.xlane v3, v2;
	v4 =	vadd.s32 v1, v4;
	_ =	sdelay $0x1  }
0x38: {  	v3 =	vadd.s32 v1, v3;
	_ =	sdelay $0x2  }
0x39: {  	[tilespmem:s14], [sflag:$0x1] =	stream.indirect_vreg.gather [hbm4b:s1+s3], $0x80, v4, vm0, $0xb8;
	[tilespmem:$0x8080] =	vst v63  }
0x3a: {  	_ = 	snop  }
0x3b: {  	[tilespmem:s15], [sflag:$0x1] =	stream.indirect_vreg.gather [hbm4b:s1+s3], $0x80, v3, vm0, $0xb8;
	[tilespmem:$0x8080] =	vst v63  }
0x3c: {  	v3 =	vld [tilespmem:$0x40];
	_ =	sdelay $0x4  }
0x3d: {  	v60 =	vshll.u32 v3, $0x1  }
0x3e: {  	v3 =	vand.u32 $0x7, v3;
	v4 =	vand.u32 $0xFFFFFFF0, v60  }
0x3f: {  	v3 =	vor.u32 v3, v4  }
0x40: {  	v4 =	vperm.xlane v3, v0;
	_ =	sdelay $0x1  }
0x41: {  	v3 =	vperm.xlane v3, v2;
	v4 =	vadd.s32 v1, v4;
	_ =	sdelay $0x1  }
0x42: {  	v3 =	vadd.s32 v1, v3;
	_ =	sdelay $0x2  }
0x43: {  	[tilespmem:s16], [sflag:$0x1] =	stream.indirect_vreg.gather [hbm4b:s1+s3], $0x80, v4, vm0, $0xb8;
	[tilespmem:$0x8080] =	vst v63  }
0x44: {  	_ = 	snop  }
0x45: {  	[tilespmem:s17], [sflag:$0x1] =	stream.indirect_vreg.gather [hbm4b:s1+s3], $0x80, v3, vm0, $0xb8;
	[tilespmem:$0x8080] =	vst v63  }
0x46: {  	v3 =	vld [tilespmem:$0x50];
	_ =	sdelay $0x4  }
0x47: {  	v61 =	vshll.u32 v3, $0x1  }
0x48: {  	v3 =	vand.u32 $0x7, v3;
	v4 =	vand.u32 $0xFFFFFFF0, v61  }
0x49: {  	v3 =	vor.u32 v3, v4  }
0x4a: {  	v4 =	vperm.xlane v3, v0;
	_ =	sdelay $0x1  }
0x4b: {  	v3 =	vperm.xlane v3, v2;
	v4 =	vadd.s32 v1, v4;
	_ =	sdelay $0x1  }
0x4c: {  	v3 =	vadd.s32 v1, v3;
	_ =	sdelay $0x2  }
0x4d: {  	[tilespmem:s18], [sflag:$0x1] =	stream.indirect_vreg.gather [hbm4b:s1+s3], $0x80, v4, vm0, $0xb8;
	[tilespmem:$0x8080] =	vst v63  }
0x4e: {  	_ = 	snop  }
0x4f: {  	[tilespmem:s19], [sflag:$0x1] =	stream.indirect_vreg.gather [hbm4b:s1+s3], $0x80, v3, vm0, $0xb8;
	[tilespmem:$0x8080] =	vst v63  }
0x50: {  	v3 =	vld [tilespmem:$0x60];
	_ =	sdelay $0x4  }
0x51: {  	v62 =	vshll.u32 v3, $0x1  }
0x52: {  	v3 =	vand.u32 $0x7, v3;
	v4 =	vand.u32 $0xFFFFFFF0, v62  }
0x53: {  	v3 =	vor.u32 v3, v4  }
0x54: {  	v4 =	vperm.xlane v3, v0;
	_ =	sdelay $0x1  }
0x55: {  	v3 =	vperm.xlane v3, v2;
	v4 =	vadd.s32 v1, v4;
	_ =	sdelay $0x1  }
0x56: {  	v3 =	vadd.s32 v1, v3;
	_ =	sdelay $0x2  }
0x57: {  	[tilespmem:s20], [sflag:$0x1] =	stream.indirect_vreg.gather [hbm4b:s1+s3], $0x80, v4, vm0, $0xb8;
	[tilespmem:$0x8080] =	vst v63  }
0x58: {  	_ = 	snop  }
0x59: {  	[tilespmem:s21], [sflag:$0x1] =	stream.indirect_vreg.gather [hbm4b:s1+s3], $0x80, v3, vm0, $0xb8;
	[tilespmem:$0x8080] =	vst v63  }
0x5a: {  	v3 =	vld [tilespmem:$0x70];
	_ =	sdelay $0x4  }
0x5b: {  	v63 =	vshll.u32 v3, $0x1  }
0x5c: {  	v3 =	vand.u32 $0x7, v3;
	v4 =	vand.u32 $0xFFFFFFF0, v63  }
0x5d: {  	v3 =	vor.u32 v3, v4  }
0x5e: {  	v4 =	vperm.xlane v3, v0;
	_ =	sdelay $0x1  }
0x5f: {  	v3 =	vperm.xlane v3, v2;
	v4 =	vadd.s32 v1, v4;
	_ =	sdelay $0x1  }
0x60: {  	v3 =	vadd.s32 v1, v3;
	_ =	sdelay $0x2  }
0x61: {  	[tilespmem:s22], [sflag:$0x1] =	stream.indirect_vreg.gather [hbm4b:s1+s3], $0x80, v4, vm0, $0xb8;
	[tilespmem:$0x8080] =	vst v63  }
0x62: {  	_ = 	snop  }
0x63: {  	[tilespmem:s23], [sflag:$0x1] =	stream.indirect_vreg.gather [hbm4b:s1+s3], $0x80, v3, vm0, $0xb8;
	[tilespmem:$0x8080] =	vst v63  }
0x64: {  	_ =	swait.ge [sflag:s24], $0x8000  }
0x65: {  	p0 =	sne.s32 s6, $0x1;
	[sflag:s24] =	ssyncset.done $0x0  }
.Ltmp0:
0x66: {  	[sflag:s24] =	ssyncadd.s32 $0xFFFF8000;
	(pc) =	sbr.rel @p0 .LBB2_1-.Ltmp0, $4  }
0x67: {  	[hbm4b:s5+s3] =	stream.linear.scatter [tilespmem:s8], [sflag:$0x2], $0x8000, $0x38;
	[tilespmem:$0x8080] =	vst v63  }
0x68: {  	_ =	swait.ge [sflag:s7], $0x8000  }
0x69: {  	[sflag:s7] =	ssyncset.done $0x0  }
0x6a: {  	s6 =	sadd.s32 $0xFFFFFFFF, s6;
	[sflag:s7] =	ssyncadd.s32 $0xFFFF8000  }
0x6b: {  	_ =	sfence.sel $0x180000  }
0x6c: {  	[bflag:$0x0] =	sbarrier.arrive $0xFFFF  }
0x6d: {  	p0 =	sne.s32 s2, $0x0;
	_ =	strace $0x9000004D  }
0x6e: {  	s0 =	sadd.s32 @!p0 $0x100000, s0;
	[bflag:$0x2] =	sbarrier.arrive $0xFFFF  }
0x6f: {  	[sflag:s0] =	ssyncadd.tile.s32 @!p0 $0x1;
	_ =	shalt  }
.Lfunc_end2:
_tile_overlayer_lowered:
.L_overlay_start_2:
0x70: {  	(tag) =	ssettag $0x2  }
0x71: {  	s0 =	rddreg [dreg:$0x0];
	s2 =	stileid.u32  }
0x72: {  	s1 =	rddreg [dreg:$0x1];
	p0 =	sne.s32 s2, $0x0  }
0x73: {  	s3 =	rddreg [dreg:$0x2];
	[bflag:$0x3] =	sbarrier.arrive $0xFFFF;
	s2 =	simm.s32 @!p0 $0x1C02  }
0x74: {  	[timem:s3], [sflag:s2] =	dma.local @!p0 [hbm:s0], s1  }
0x75: {  	s0 =	simm.s32 @!p0 $0x2  }
0x76: {  	_ =	swait.ge @!p0 [sflag:s0], s1  }
0x77: {  	s1 =	ssub.s32 @!p0 $0x0, s1;
	[sflag:s0] =	ssyncset.done @!p0 $0x0  }
0x78: {  	[sflag:s0] =	ssyncadd.s32 @!p0 s1  }
0x79: {  	[bflag:$0x3] =	sbarrier.arrive $0xFFFF  }
0x7a: {  	_ =	shalt  }

// kernel: kernel.21.cloned.1.call-start
scs
__scs_entry_jumppad:
0x0: {  	(pc) =	sbr.rel $0x88, $3  }
0x1: {  	(tag) =	ssettag $0x0;
	lr =	simm.s32 $0x1  }
0x2: {  	[smem:$0x3F98] =	sst lr;
	_ =	strace $0xD0000000  }
0x3: {  	_ = 	snop  }
0x4: {  	_ = 	snop  }
0x5: {  	_ = 	snop  }
0x6: {  	_ = 	snop  }
0x7: {  	_ = 	snop  }
__scs_overlays_trampoline_lowered:
0x8: {  	[smem:$0x3FA7] =	sst s0  }
0x9: {  	[smem:$0x3FA8] =	sst s1  }
0xa: {  	[smem:$0x3FA9] =	sst s2  }
0xb: {  	[smem:$0x3FAA] =	sst s3  }
0xc: {  	[smem:$0x3FAB] =	sst s4  }
0xd: {  	[smem:$0x3FAC] =	sst s5  }
0xe: {  	[smem:$0x3FAD] =	sst s6  }
0xf: {  	[smem:$0x3FAE] =	sst s7  }
0x10: {  	[smem:$0x3FAF] =	sst s8  }
0x11: {  	[smem:$0x3FB0] =	sst s9;
	s0 =	simm.s32 @!p0 $0x0  }
0x12: {  	s1 =	sld [smem:$0x3F96];
	s0 =	simm.s32 @p0 $0x1  }
0x13: {  	[smem:$0x3FB1] =	sst s0;
	s0 =	simm.s32 @!p1 $0x0  }
0x14: {  	s2 =	sld [smem:$0x3F95];
	s0 =	simm.s32 @p1 $0x1  }
0x15: {  	[smem:$0x3FB2] =	sst s0;
	s0 =	simm.s32 @!p2 $0x0  }
0x16: {  	s3 =	sld [smem:$0x3FDB];
	s0 =	simm.s32 @p2 $0x1  }
0x17: {  	s4 =	simm.s32 $0x1BF5;
	[smem:$0x3FB4] =	sst s0  }
0x18: {  	s0 =	sld [smem:$0x3F97];
	_ =	swait.ge [sflag:s4], $0x0  }
0x19: {  	s7 =	sld [smem:$0x3F98]  }
0x1a: {  	s8 =	sadd.s32 $0xFFFFE003, lr  }
0x1b: {  	s9 =	sadd.s32 $0xFFFFFEF7, lr;
	s5 =	simm.s32 $0xFFFFFFFF;
	p2 =	slt.u32 s8, $0xFFFFF086  }
0x1c: {  	p1 =	slt.u32 s9, $0xF7A;
	s5 =	simm.s32 @!p2 $0x0  }
0x1d: {  	s5 =	simm.s32 @p1 $0x1;
	p0 =	seq.s32 s7, s2  }
0x1e: {  	s7 =	smul.u32 @!p0 $0xF7A, s2;
	p2 =	seq.s32 @!p0 s5, $0x0  }
0x1f: {  	s9 =	smul.u32 $0xF7A, s1;
	s8 =	simm.s32 @!p0 $0x1BF5;
	p2 =	por !p2, p0  }
0x20: {  	[sflag:s8] =	ssyncset.s32 @!p0 $0xFFFFF086;
	s6 =	sadd.s32 @!p0 s3, s7;
	s7 =	simm.s32 @!p0 $0x108  }
0x21: {  	s3 =	sadd.s32 s3, s9;
	s6 =	sadd.s32 @!p0 $0x88, s6;
	s7 =	simm.s32 @p2 $0x1082  }
0x22: {  	[simem:s7], [sflag:s8] =	dma.local @!p0 [hbm:s6], $0xF7A  }
0x23: {  	s9 =	sor.u32 $0xD0000000, s2;
	s6 =	simm.s32 $0x108;
	_ =	swait.ge @!p0 [sflag:s8], $0x0  }
0x24: {  	s3 =	sadd.s32 $0x88, s3;
	s6 =	simm.s32 @!p1 $0x1082;
	[sflag:s4] =	ssyncset.s32 $0xFFFFF086  }
0x25: {  	[simem:s6], [sflag:s4] =	dma.local [hbm:s3], $0xF7A  }
0x26: {  	[smem:$0x3F98] =	sst s1;
	(tag) =	ssettag s2;
	_ =	strace s9  }
0x27: {  	s1 =	sld [smem:$0x3FA8]  }
0x28: {  	s2 =	sld [smem:$0x3FA9]  }
0x29: {  	s4 =	sld [smem:$0x3FAB]  }
0x2a: {  	p0 =	seq.s32 s5, $0x0;
	s5 =	sld [smem:$0x3FAC]  }
0x2b: {  	s6 =	sld [smem:$0x3FAD]  }
0x2c: {  	s7 =	sld [smem:$0x3FAE]  }
0x2d: {  	s3 =	simm.s32 $0x108;
	s8 =	sld [smem:$0x3FAF]  }
0x2e: {  	s3 =	simm.s32 @!p0 $0x1082;
	s9 =	sld [smem:$0x3FB0]  }
0x2f: {  	lr =	sadd.s32 s0, s3;
	s0 =	sld [smem:$0x3FA7]  }
0x30: {  	s3 =	sld [smem:$0x3FAA]  }
0x31: {  	[smem:$0x3FB3] =	sst s10  }
0x32: {  	s10 =	sld [smem:$0x3FB1];
	_ =	sdelay $0x3  }
0x33: {  	p0 =	seq.s32 s10, $0x1;
	s10 =	sld [smem:$0x3FB3];
	_ =	sdelay $0x3  }
0x34: {  	[smem:$0x3FB3] =	sst s10  }
0x35: {  	s10 =	sld [smem:$0x3FB2];
	_ =	sdelay $0x3  }
0x36: {  	p1 =	seq.s32 s10, $0x1;
	s10 =	sld [smem:$0x3FB3];
	_ =	sdelay $0x3  }
0x37: {  	[smem:$0x3FB3] =	sst s10  }
0x38: {  	s10 =	sld [smem:$0x3FB4]  }
0x39: {  	_ = 	snop;
	(pc) =	sbr.ind lr, $3  }
0x3a: {  	_ = 	snop  }
0x3b: {  	_ = 	snop  }
0x3c: {  	p2 =	seq.s32 s10, $0x1;
	s10 =	sld [smem:$0x3FB3]  }
0x3d: {  	_ =	shalt  }
0x3e: {  	_ =	shalt  }
0x3f: {  	_ =	shalt  }
0x40: {  	_ =	shalt  }
0x41: {  	_ =	shalt  }
0x42: {  	_ =	shalt  }
0x43: {  	_ =	shalt  }
0x44: {  	_ =	shalt  }
0x45: {  	_ =	shalt  }
0x46: {  	_ =	shalt  }
0x47: {  	_ =	shalt  }
0x48: {  	_ =	shalt  }
0x49: {  	_ =	shalt  }
0x4a: {  	_ =	shalt  }
0x4b: {  	_ =	shalt  }
0x4c: {  	_ =	shalt  }
0x4d: {  	_ =	shalt  }
0x4e: {  	_ =	shalt  }
0x4f: {  	_ =	shalt  }
0x50: {  	_ =	shalt  }
0x51: {  	_ =	shalt  }
0x52: {  	_ =	shalt  }
0x53: {  	_ =	shalt  }
0x54: {  	_ =	shalt  }
0x55: {  	_ =	shalt  }
0x56: {  	_ =	shalt  }
0x57: {  	_ =	shalt  }
0x58: {  	_ =	shalt  }
0x59: {  	_ =	shalt  }
0x5a: {  	_ =	shalt  }
0x5b: {  	_ =	shalt  }
0x5c: {  	_ =	shalt  }
0x5d: {  	_ =	shalt  }
0x5e: {  	_ =	shalt  }
0x5f: {  	_ =	shalt  }
0x60: {  	_ =	shalt  }
0x61: {  	_ =	shalt  }
0x62: {  	_ =	shalt  }
0x63: {  	_ =	shalt  }
0x64: {  	_ =	shalt  }
0x65: {  	_ =	shalt  }
0x66: {  	_ =	shalt  }
0x67: {  	_ =	shalt  }
0x68: {  	_ =	shalt  }
0x69: {  	_ =	shalt  }
0x6a: {  	_ =	shalt  }
0x6b: {  	_ =	shalt  }
0x6c: {  	_ =	shalt  }
0x6d: {  	_ =	shalt  }
0x6e: {  	_ =	shalt  }
0x6f: {  	_ =	shalt  }
0x70: {  	_ =	shalt  }
0x71: {  	_ =	shalt  }
0x72: {  	_ =	shalt  }
0x73: {  	_ =	shalt  }
0x74: {  	_ =	shalt  }
0x75: {  	_ =	shalt  }
0x76: {  	_ =	shalt  }
0x77: {  	_ =	shalt  }
0x78: {  	_ =	shalt  }
0x79: {  	_ =	shalt  }
0x7a: {  	_ =	shalt  }
0x7b: {  	_ =	shalt  }
0x7c: {  	_ =	shalt  }
0x7d: {  	_ =	shalt  }
0x7e: {  	_ =	shalt  }
0x7f: {  	_ =	shalt  }
0x80: {  	_ =	shalt  }
0x81: {  	_ =	shalt  }
0x82: {  	_ =	shalt  }
0x83: {  	_ =	shalt  }
0x84: {  	_ =	shalt  }
0x85: {  	_ =	shalt  }
0x86: {  	_ =	shalt  }
0x87: {  	_ =	shalt  }
.Lfunc_end0:
.L_simem_size_0:
called_computation.3_lowered:
.L_overlay_start_0:
0x88: {  	s2 =	sld [smem:$0x3FD9]  }
0x89: {  	s3 =	sld [smem:$0x3FFE];
	_ =	sdelay $0x1  }
0x8a: {  	s1 =	srdreg.scid  }
0x8b: {  	s0 =	sand.u32 $0x1, s1  }
0x8c: {  	s15 =	sshll.u32 s0, $0xA;
	s2 =	sadd.s32 s3, s2  }
0x8d: {  	s2 =	sadd.s32 s2, s15  }
0x8e: {  	[smem:$0x3FBF] =	sst s2  }
0x8f: {  	_ = 	snop  }
0x90: {  	s2 =	sld [smem:$0x3FD0];
	_ =	sdelay $0x2  }
0x91: {  	s4 =	simm.s32 $0xA  }
0x92: {  	s5 =	simm.s32 $0x10;
	s16 =	sld [smem:$0x3FC3];
	s2 =	sadd.s32 $0x1, s2  }
0x93: {  	[smem:s5], [sflag:s4] =	dma.local [hbm:s2], $0x1  }
0x94: {  	_ =	swait.eq [sflag:s4], $0x1  }
0x95: {  	[sflag:s4] =	ssyncset.done $0x0  }
0x96: {  	s17 =	sld [smem:$0x10];
	[sflag:s4] =	ssyncadd.s32 $0xFFFFFFFF  }
0x97: {  	s18 =	sld [smem:$0x14];
	(tm) =	ssettm $0x1  }
0x98: {  	s19 =	sld [smem:$0x3FFB];
	_ =	sdelay $0x3  }
0x99: {  	_ =	strace s19  }
0x9a: {  	s5 =	sld [smem:$0x3FFC];
	_ =	sdelay $0x3  }
0x9b: {  	_ =	strace s5  }
0x9c: {  	s5 =	sld [smem:$0x3FFD];
	_ =	sdelay $0x3  }
0x9d: {  	_ =	strace s5  }
0x9e: {  	_ =	strace $0x8FFFFFFF  }
0x9f: {  	s20 =	sld [smem:$0x3FDB];
	_ =	sdelay $0x1  }
0xa0: {  	s6 =	simm.s32 $_scs_section_size  }
0xa1: {  	s7 =	simm.s32 $_size__tile_overlayer_lowered;
	s8 =	simm.s32 $_tile_overlayer_lowered  }
0xa2: {  	s23 =	simm.s32 $0x1BFF;
	s22 =	sshll.u32 s8, $0x1;
	s5 =	sadd.s32 s6, s20  }
0xa3: {  	s9 =	simm.s32 $0x0;
	s21 =	sshll.u32 s7, $0x1;
	s7 =	sadd.s32 s22, s5  }
0xa4: {  	[timem:s9], [sflag:s23] =	dma.local [hbm:s7], s21  }
0xa5: {  	_ =	swait.ge [sflag:s23], s21  }
0xa6: {  	s6 =	ssub.s32 $0x0, s21;
	[sflag:s23] =	ssyncset.done $0x0  }
0xa7: {  	[sflag:s23] =	ssyncadd.s32 s6;
	_ =	sdelay $0x1  }
0xa8: {  	s24 =	simm.s32 $0x1B8B  }
0xa9: {  	_ =	swait.ge [sflag:s24], $0x1  }
0xaa: {  	[sflag:s24] =	ssyncset.done $0x0  }
0xab: {  	s25 =	simm.s32 $0x1B8E;
	[sflag:s24] =	ssyncadd.s32 $0xFFFFFFFF  }
0xac: {  	s26 =	simm.s32 $execute0_lowered;
	[smem:$0x3FD2] =	sst s25  }
0xad: {  	s6 =	sshll.u32 s26, $0x1;
	_ =	strace $0x8000004F;
	[dreg:$0x1] =	wrdreg $0xFFFFFFFF  }
0xae: {  	s28 =	simm.s32 $_size_execute0_lowered;
	s5 =	sadd.s32 s5, s6;
	[dreg:$0x0] =	wrdreg $0x0  }
0xaf: {  	s6 =	sshll.u32 s28, $0x1;
	[dreg:$0x2] =	wrdreg s5  }
0xb0: {  	[dreg:$0x3] =	wrdreg s6  }
0xb1: {  	[dreg:$0x4] =	wrdreg $0xC0  }
0xb2: {  	_ =	task [dreg:s9], $0x5FFFF  }
0xb3: {  	[dreg:$0x1] =	wrdreg $0xFFFFFFFF  }
0xb4: {  	[dreg:$0x0] =	wrdreg $0x60  }
0xb5: {  	[dreg:$0x2] =	wrdreg s16  }
0xb6: {  	[dreg:$0x3] =	wrdreg s18  }
0xb7: {  	[dreg:$0x4] =	wrdreg s17  }
0xb8: {  	[dreg:$0x5] =	wrdreg $0x9  }
0xb9: {  	_ =	task.clear_ibuf [dreg:s9], $0x6FFFF;
	_ =	strace $0x9000004F  }
0xba: {  	s29 =	simm.s32 $0x9;
	_ =	strace $0x80000051  }
0xbb: {  	_ =	swait.ge [sflag:s29], $0x1  }
0xbc: {  	[sflag:s29] =	ssyncadd.s32 $0xFFFFFFFF  }
0xbd: {  	_ =	strace $0x90000051  }
0xbe: {  	_ =	sfence  }
0xbf: {  	s30 =	sld [smem:$0x0];
	_ =	sdelay $0x2  }
0xc0: {  	s31 =	sshll.u32 s1, $0xD;
	s1 =	sshrl.u32 s1, $0x2  }
0xc1: {  	s3 =	sand.u32 $0x4000, s31;
	s1 =	sadd.s32 s1, s30  }
0xc2: {  	s0 =	sor.u32 s3, s0;
	s1 =	sshll.u32 s1, $0x11  }
0xc3: {  	s0 =	sor.u32 s1, s0  }
0xc4: {  	s0 =	sadd.s32 $0x8F2B, s0  }
0xc5: {  	[sflag:s0] =	ssyncadd.remote.s32 $0x1  }
0xc6: {  	_ =	sfence.sel $0xFFFF  }
0xc7: {  	[dreg:$0x0] =	wrdreg $0xFFFFFFFF;
	(pc) =	sbr.abs _section_cstart, $3  }
0xc8: {  	[dreg:$0x1] =	wrdreg $0xFFFFFFFF  }
0xc9: {  	_ =	task.clear_ibuf [dreg:s9], $0x2FFFF;
	_ =	strace $0x9FFFFFFF  }
0xca: {  	(tm) =	ssettm $0x7FFFFFFF  }
0xcb: {  	_ =	shalt  }
tec
execute0_lowered:
.L_overlay_start_1:
0x0: {  	(tag) =	ssettag $0x1  }
0x1: {  	s1 =	rddreg [dreg:$0x0]  }
0x2: {  	s4 =	rddreg [dreg:$0x1]  }
0x3: {  	s5 =	rddreg [dreg:$0x2]  }
0x4: {  	s0 =	rddreg [dreg:$0x3];
	s3 =	simm.s32 $0x0;
	s6 =	srdreg.scid  }
0x5: {  	s2 =	stileid.u32;
	s10 =	simm.s32 $0x1080;
	s11 =	simm.s32 $0x1880  }
0x6: {  	s12 =	simm.s32 $0x2080;
	s13 =	simm.s32 $0x2880;
	s14 =	simm.s32 $0x3080  }
0x7: {  	s15 =	simm.s32 $0x3880;
	s16 =	simm.s32 $0x4080;
	s17 =	simm.s32 $0x4880  }
0x8: {  	s18 =	simm.s32 $0x5080;
	s19 =	simm.s32 $0x5880;
	s20 =	simm.s32 $0x6080  }
0x9: {  	s21 =	simm.s32 $0x6880;
	s22 =	simm.s32 $0x7080;
	s23 =	simm.s32 $0x7880  }
0xa: {  	s24 =	simm.s32 $0x1;
	[smem:$0x7FF] =	sst s3;
	s6 =	sand.u32 $0x1, s6  }
0xb: {  	s8 =	sshll.u32 s2, $0x8;
	s7 =	ssub.s32 $0x2, s6;
	s6 =	sshll.u32 s6, $0x7  }
0xc: {  	_ =	strace $0x80000050;
	s9 =	sshrl.u32 s7, $0x1;
	s6 =	sor.u32 s6, s8  }
0xd: {  	v2 =	vlaneseq.u32;
	s7 =	ssub.s32 s7, s9;
	s8 =	sshrl.u32 s6, $0x3;
	s6 =	sshll.u32 s6, $0x5  }
0xe: {  	vm0 =	vmmov $0xffff;
	v1 =	vshrl.u32 v2, $0x3;
	s9 =	simm.s32 $0x880;
	s4 =	sadd.s32 s4, s8;
	s5 =	sadd.s32 s5, s6  }
0xf: {  	v0 =	vand.u32 $0x7, v2;
	v2 =	vor.u32 $0x8, v2;
	v1 =	vmul.u32 $0x8, v1;
	s6 =	smax.u32 s7, $0x1;
	s7 =	simm.s32 $0x2;
	s8 =	simm.s32 $0x80  }
.LBB2_1:
0x10: {  	[tilespmem:s3], [sflag:$0x2] =	stream.linear.gather [hbm4b:s4+s3], $0x80, $0x38;
	[tilespmem:$0x8080] =	vst v63  }
0x11: {  	_ =	swait.ge [sflag:s7], $0x80  }
0x12: {  	[sflag:s7] =	ssyncset.done $0x0  }
0x13: {  	[sflag:s7] =	ssyncadd.s32 $0xFFFFFF80  }
0x14: {  	v3 =	vld [tilespmem:$0x0];
	_ =	sdelay $0x4  }
0x15: {  	v4 =	vshll.u32 v3, $0x1  }
0x16: {  	v3 =	vand.u32 $0x7, v3;
	v4 =	vand.u32 $0xFFFFFFF0, v4  }
0x17: {  	v3 =	vor.u32 v3, v4  }
0x18: {  	v4 =	vperm.xlane v3, v0;
	_ =	sdelay $0x1  }
0x19: {  	v3 =	vperm.xlane v3, v2;
	v4 =	vadd.s32 v1, v4;
	_ =	sdelay $0x1  }
0x1a: {  	v3 =	vadd.s32 v1, v3;
	_ =	sdelay $0x2  }
0x1b: {  	[tilespmem:s8], [sflag:$0x1] =	stream.indirect_vreg.gather [hbm4b:s1+s3], $0x80, v4, vm0, $0xb8;
	[tilespmem:$0x8080] =	vst v63  }
0x1c: {  	_ = 	snop  }
0x1d: {  	[tilespmem:s9], [sflag:$0x1] =	stream.indirect_vreg.gather [hbm4b:s1+s3], $0x80, v3, vm0, $0xb8;
	[tilespmem:$0x8080] =	vst v63  }
0x1e: {  	v3 =	vld [tilespmem:$0x10];
	_ =	sdelay $0x4  }
0x1f: {  	v57 =	vshll.u32 v3, $0x1  }
0x20: {  	v3 =	vand.u32 $0x7, v3;
	v4 =	vand.u32 $0xFFFFFFF0, v57  }
0x21: {  	v3 =	vor.u32 v3, v4  }
0x22: {  	v4 =	vperm.xlane v3, v0;
	_ =	sdelay $0x1  }
0x23: {  	v3 =	vperm.xlane v3, v2;
	v4 =	vadd.s32 v1, v4;
	_ =	sdelay $0x1  }
0x24: {  	v3 =	vadd.s32 v1, v3;
	_ =	sdelay $0x2  }
0x25: {  	[tilespmem:s10], [sflag:$0x1] =	stream.indirect_vreg.gather [hbm4b:s1+s3], $0x80, v4, vm0, $0xb8;
	[tilespmem:$0x8080] =	vst v63  }
0x26: {  	_ = 	snop  }
0x27: {  	[tilespmem:s11], [sflag:$0x1] =	stream.indirect_vreg.gather [hbm4b:s1+s3], $0x80, v3, vm0, $0xb8;
	[tilespmem:$0x8080] =	vst v63  }
0x28: {  	v3 =	vld [tilespmem:$0x20];
	_ =	sdelay $0x4  }
0x29: {  	v58 =	vshll.u32 v3, $0x1  }
0x2a: {  	v3 =	vand.u32 $0x7, v3;
	v4 =	vand.u32 $0xFFFFFFF0, v58  }
0x2b: {  	v3 =	vor.u32 v3, v4  }
0x2c: {  	v4 =	vperm.xlane v3, v0;
	_ =	sdelay $0x1  }
0x2d: {  	v3 =	vperm.xlane v3, v2;
	v4 =	vadd.s32 v1, v4;
	_ =	sdelay $0x1  }
0x2e: {  	v3 =	vadd.s32 v1, v3;
	_ =	sdelay $0x2  }
0x2f: {  	[tilespmem:s12], [sflag:$0x1] =	stream.indirect_vreg.gather [hbm4b:s1+s3], $0x80, v4, vm0, $0xb8;
	[tilespmem:$0x8080] =	vst v63  }
0x30: {  	_ = 	snop  }
0x31: {  	[tilespmem:s13], [sflag:$0x1] =	stream.indirect_vreg.gather [hbm4b:s1+s3], $0x80, v3, vm0, $0xb8;
	[tilespmem:$0x8080] =	vst v63  }
0x32: {  	v3 =	vld [tilespmem:$0x30];
	_ =	sdelay $0x4  }
0x33: {  	v59 =	vshll.u32 v3, $0x1  }
0x34: {  	v3 =	vand.u32 $0x7, v3;
	v4 =	vand.u32 $0xFFFFFFF0, v59  }
0x35: {  	v3 =	vor.u32 v3, v4  }
0x36: {  	v4 =	vperm.xlane v3, v0;
	_ =	sdelay $0x1  }
0x37: {  	v3 =	vperm.xlane v3, v2;
	v4 =	vadd.s32 v1, v4;
	_ =	sdelay $0x1  }
0x38: {  	v3 =	vadd.s32 v1, v3;
	_ =	sdelay $0x2  }
0x39: {  	[tilespmem:s14], [sflag:$0x1] =	stream.indirect_vreg.gather [hbm4b:s1+s3], $0x80, v4, vm0, $0xb8;
	[tilespmem:$0x8080] =	vst v63  }
0x3a: {  	_ = 	snop  }
0x3b: {  	[tilespmem:s15], [sflag:$0x1] =	stream.indirect_vreg.gather [hbm4b:s1+s3], $0x80, v3, vm0, $0xb8;
	[tilespmem:$0x8080] =	vst v63  }
0x3c: {  	v3 =	vld [tilespmem:$0x40];
	_ =	sdelay $0x4  }
0x3d: {  	v60 =	vshll.u32 v3, $0x1  }
0x3e: {  	v3 =	vand.u32 $0x7, v3;
	v4 =	vand.u32 $0xFFFFFFF0, v60  }
0x3f: {  	v3 =	vor.u32 v3, v4  }
0x40: {  	v4 =	vperm.xlane v3, v0;
	_ =	sdelay $0x1  }
0x41: {  	v3 =	vperm.xlane v3, v2;
	v4 =	vadd.s32 v1, v4;
	_ =	sdelay $0x1  }
0x42: {  	v3 =	vadd.s32 v1, v3;
	_ =	sdelay $0x2  }
0x43: {  	[tilespmem:s16], [sflag:$0x1] =	stream.indirect_vreg.gather [hbm4b:s1+s3], $0x80, v4, vm0, $0xb8;
	[tilespmem:$0x8080] =	vst v63  }
0x44: {  	_ = 	snop  }
0x45: {  	[tilespmem:s17], [sflag:$0x1] =	stream.indirect_vreg.gather [hbm4b:s1+s3], $0x80, v3, vm0, $0xb8;
	[tilespmem:$0x8080] =	vst v63  }
0x46: {  	v3 =	vld [tilespmem:$0x50];
	_ =	sdelay $0x4  }
0x47: {  	v61 =	vshll.u32 v3, $0x1  }
0x48: {  	v3 =	vand.u32 $0x7, v3;
	v4 =	vand.u32 $0xFFFFFFF0, v61  }
0x49: {  	v3 =	vor.u32 v3, v4  }
0x4a: {  	v4 =	vperm.xlane v3, v0;
	_ =	sdelay $0x1  }
0x4b: {  	v3 =	vperm.xlane v3, v2;
	v4 =	vadd.s32 v1, v4;
	_ =	sdelay $0x1  }
0x4c: {  	v3 =	vadd.s32 v1, v3;
	_ =	sdelay $0x2  }
0x4d: {  	[tilespmem:s18], [sflag:$0x1] =	stream.indirect_vreg.gather [hbm4b:s1+s3], $0x80, v4, vm0, $0xb8;
	[tilespmem:$0x8080] =	vst v63  }
0x4e: {  	_ = 	snop  }
0x4f: {  	[tilespmem:s19], [sflag:$0x1] =	stream.indirect_vreg.gather [hbm4b:s1+s3], $0x80, v3, vm0, $0xb8;
	[tilespmem:$0x8080] =	vst v63  }
0x50: {  	v3 =	vld [tilespmem:$0x60];
	_ =	sdelay $0x4  }
0x51: {  	v62 =	vshll.u32 v3, $0x1  }
0x52: {  	v3 =	vand.u32 $0x7, v3;
	v4 =	vand.u32 $0xFFFFFFF0, v62  }
0x53: {  	v3 =	vor.u32 v3, v4  }
0x54: {  	v4 =	vperm.xlane v3, v0;
	_ =	sdelay $0x1  }
0x55: {  	v3 =	vperm.xlane v3, v2;
	v4 =	vadd.s32 v1, v4;
	_ =	sdelay $0x1  }
0x56: {  	v3 =	vadd.s32 v1, v3;
	_ =	sdelay $0x2  }
0x57: {  	[tilespmem:s20], [sflag:$0x1] =	stream.indirect_vreg.gather [hbm4b:s1+s3], $0x80, v4, vm0, $0xb8;
	[tilespmem:$0x8080] =	vst v63  }
0x58: {  	_ = 	snop  }
0x59: {  	[tilespmem:s21], [sflag:$0x1] =	stream.indirect_vreg.gather [hbm4b:s1+s3], $0x80, v3, vm0, $0xb8;
	[tilespmem:$0x8080] =	vst v63  }
0x5a: {  	v3 =	vld [tilespmem:$0x70];
	_ =	sdelay $0x4  }
0x5b: {  	v63 =	vshll.u32 v3, $0x1  }
0x5c: {  	v3 =	vand.u32 $0x7, v3;
	v4 =	vand.u32 $0xFFFFFFF0, v63  }
0x5d: {  	v3 =	vor.u32 v3, v4  }
0x5e: {  	v4 =	vperm.xlane v3, v0;
	_ =	sdelay $0x1  }
0x5f: {  	v3 =	vperm.xlane v3, v2;
	v4 =	vadd.s32 v1, v4;
	_ =	sdelay $0x1  }
0x60: {  	v3 =	vadd.s32 v1, v3;
	_ =	sdelay $0x2  }
0x61: {  	[tilespmem:s22], [sflag:$0x1] =	stream.indirect_vreg.gather [hbm4b:s1+s3], $0x80, v4, vm0, $0xb8;
	[tilespmem:$0x8080] =	vst v63  }
0x62: {  	_ = 	snop  }
0x63: {  	[tilespmem:s23], [sflag:$0x1] =	stream.indirect_vreg.gather [hbm4b:s1+s3], $0x80, v3, vm0, $0xb8;
	[tilespmem:$0x8080] =	vst v63  }
0x64: {  	_ =	swait.ge [sflag:s24], $0x8000  }
0x65: {  	p0 =	sne.s32 s6, $0x1;
	[sflag:s24] =	ssyncset.done $0x0  }
.Ltmp0:
0x66: {  	[sflag:s24] =	ssyncadd.s32 $0xFFFF8000;
	(pc) =	sbr.rel @p0 .LBB2_1-.Ltmp0, $4  }
0x67: {  	[hbm4b:s5+s3] =	stream.linear.scatter [tilespmem:s8], [sflag:$0x2], $0x8000, $0x38;
	[tilespmem:$0x8080] =	vst v63  }
0x68: {  	_ =	swait.ge [sflag:s7], $0x8000  }
0x69: {  	[sflag:s7] =	ssyncset.done $0x0  }
0x6a: {  	s6 =	sadd.s32 $0xFFFFFFFF, s6;
	[sflag:s7] =	ssyncadd.s32 $0xFFFF8000  }
0x6b: {  	_ =	sfence.sel $0x180000  }
0x6c: {  	[bflag:$0x0] =	sbarrier.arrive $0xFFFF  }
0x6d: {  	p0 =	sne.s32 s2, $0x0;
	_ =	strace $0x90000050  }
0x6e: {  	s0 =	sadd.s32 @!p0 $0x100000, s0;
	[bflag:$0x2] =	sbarrier.arrive $0xFFFF  }
0x6f: {  	[sflag:s0] =	ssyncadd.tile.s32 @!p0 $0x1;
	_ =	shalt  }
.Lfunc_end2:
_tile_overlayer_lowered:
.L_overlay_start_2:
0x70: {  	(tag) =	ssettag $0x2  }
0x71: {  	s0 =	rddreg [dreg:$0x0];
	s2 =	stileid.u32  }
0x72: {  	s1 =	rddreg [dreg:$0x1];
	p0 =	sne.s32 s2, $0x0  }
0x73: {  	s3 =	rddreg [dreg:$0x2];
	[bflag:$0x3] =	sbarrier.arrive $0xFFFF;
	s2 =	simm.s32 @!p0 $0x1C02  }
0x74: {  	[timem:s3], [sflag:s2] =	dma.local @!p0 [hbm:s0], s1  }
0x75: {  	s0 =	simm.s32 @!p0 $0x2  }
0x76: {  	_ =	swait.ge @!p0 [sflag:s0], s1  }
0x77: {  	s1 =	ssub.s32 @!p0 $0x0, s1;
	[sflag:s0] =	ssyncset.done @!p0 $0x0  }
0x78: {  	[sflag:s0] =	ssyncadd.s32 @!p0 s1  }
0x79: {  	[bflag:$0x3] =	sbarrier.arrive $0xFFFF  }
0x7a: {  	_ =	shalt  }

</sc_bundles>
